<compile_context>
chip_gen: v7x
topology: tpu7x:2x2x1
jax: 0.10.2.dev20260603
libtpu: 0.0.44.dev20260713+nightly
codegen_flags: <defaults>
</compile_context>

<pallas_src>
import functools

import jax
import jax.numpy as jnp
from jax import lax
from jax.experimental import pallas as pl
from jax.experimental.pallas import tpu as pltpu
from jax.experimental.pallas import tpu_sc as plsc

N = 4096
E = 131072
IN = 256
HID = 256
OUT = 64
K = 2048

BM = 512
BK = 2048
NI = N // BM
NK = N // BK

_STRIPE_ROWS = 256
_STRIPE_W = _STRIPE_ROWS * N
_EPT = E // 16
_TILE_W = _STRIPE_W // 16


def _build_c_kernel(src_hbm, dst_hbm, c_hbm, stripe_sp, zbuf, srcb, dstb,
                    idxb, valb, dmasem):
    core = lax.axis_index("c")
    tid = lax.axis_index("s")

    def zinit(i, carry):
        zbuf[pl.ds(i * 16, 16)] = jnp.zeros((16,), jnp.float32)
        return carry

    lax.fori_loop(0, 2048, zinit, 0)

    pltpu.sync_copy(src_hbm.at[pl.ds(tid * _EPT, _EPT)], srcb)
    pltpu.sync_copy(dst_hbm.at[pl.ds(tid * _EPT, _EPT)], dstb)

    def stripe_body(j, carry):
        sidx = core + 2 * j
        lo = sidx * _STRIPE_ROWS
        pltpu.sync_copy(zbuf, stripe_sp.at[pl.ds(tid * _TILE_W, 32768)])
        pltpu.sync_copy(zbuf, stripe_sp.at[pl.ds(tid * _TILE_W + 32768, 32768)])
        plsc.subcore_barrier()

        def prep(ch, c2):
            sv = srcb[pl.ds(ch * 16, 16)]
            dv = dstb[pl.ds(ch * 16, 16)]
            inb = (dv >= lo) & (dv < lo + _STRIPE_ROWS)
            dummy = ((tid * _EPT + ch * 16 + lax.iota(jnp.int32, 16)) * 61
                     ) & (_STRIPE_W - 1)
            idx = jnp.where(inb, (dv - lo) * N + sv, dummy)
            val = jnp.where(inb, jnp.ones((16,), jnp.float32),
                            jnp.zeros((16,), jnp.float32))
            idxb[pl.ds(ch * 16, 16)] = idx
            valb[pl.ds(ch * 16, 16)] = val
            return c2

        lax.fori_loop(0, _EPT // 16, prep, 0)
        pltpu.sync_copy(valb, stripe_sp.at[idxb], add=True)
        plsc.subcore_barrier()
        pltpu.sync_copy(
            stripe_sp.at[pl.ds(tid * _TILE_W, _TILE_W)],
            c_hbm.at[pl.ds(sidx * _STRIPE_W + tid * _TILE_W, _TILE_W)])
        plsc.subcore_barrier()
        return carry

    lax.fori_loop(0, 8, stripe_body, 0)


_build_c_cache = []


def _build_c(src, dst):
    if not _build_c_cache:
        _build_c_cache.append(functools.partial(
            pl.kernel,
            mesh=plsc.VectorSubcoreMesh(core_axis_name="c",
                                        subcore_axis_name="s"),
            out_type=jax.ShapeDtypeStruct((N * N,), jnp.float32),
            scratch_types=[
                pltpu.VMEM_SHARED((_STRIPE_W,), jnp.float32),
                pltpu.VMEM((32768,), jnp.float32),
                pltpu.VMEM((_EPT,), jnp.int32),
                pltpu.VMEM((_EPT,), jnp.int32),
                pltpu.VMEM((_EPT,), jnp.int32),
                pltpu.VMEM((_EPT,), jnp.float32),
                pltpu.SemaphoreType.DMA,
            ],
        )(_build_c_kernel))
    return _build_c_cache[0](src, dst)


def _eye(n):
    r = lax.broadcasted_iota(jnp.int32, (n, n), 0)
    c = lax.broadcasted_iota(jnp.int32, (n, n), 1)
    return (r == c).astype(jnp.float32)


def _prep_body(c_ref, dinv_ref, diag_ref, cbf_ref):
    i, k = pl.program_id(0), pl.program_id(1)

    @pl.when(k == 0)
    def _():
        dinv_ref[...] = jnp.zeros_like(dinv_ref)
        diag_ref[...] = jnp.zeros_like(diag_ref)

    blk = c_ref[...]
    cbf_ref[...] = blk.astype(jnp.bfloat16)
    dinv_ref[...] += blk.sum(axis=1, keepdims=True)
    rg = lax.broadcasted_iota(jnp.int32, (BM, BK), 0) + i * BM
    cg = lax.broadcasted_iota(jnp.int32, (BM, BK), 1) + k * BK
    diag_ref[...] += (blk * (rg == cg).astype(jnp.float32)).sum(
        axis=1, keepdims=True)

    @pl.when(k == NK - 1)
    def _():
        dinv_ref[...] = lax.rsqrt(dinv_ref[...] + 2.0)


def _prep(C):
    return pl.pallas_call(
        _prep_body,
        grid=(NI, NK),
        in_specs=[pl.BlockSpec((BM, BK), lambda i, k: (i, k))],
        out_specs=(pl.BlockSpec((BM, 1), lambda i, k: (i, 0)),
                   pl.BlockSpec((BM, 1), lambda i, k: (i, 0)),
                   pl.BlockSpec((BM, BK), lambda i, k: (i, k))),
        out_shape=(jax.ShapeDtypeStruct((N, 1), jnp.float32),
                   jax.ShapeDtypeStruct((N, 1), jnp.float32),
                   jax.ShapeDtypeStruct((N, N), jnp.bfloat16)),
    )(C)


def _mm0_body(x_ref, w_ref, xw_ref):
    xw_ref[...] = jnp.dot(x_ref[...], w_ref[...],
                          preferred_element_type=jnp.float32)


def _mm0(x, W0):
    return pl.pallas_call(
        _mm0_body,
        grid=(NI,),
        in_specs=[pl.BlockSpec((BM, IN), lambda i: (i, 0)),
                  pl.BlockSpec((IN, HID), lambda i: (0, 0))],
        out_specs=pl.BlockSpec((BM, HID), lambda i: (i, 0)),
        out_shape=jax.ShapeDtypeStruct((N, HID), jnp.float32),
    )(x, W0)


def _conv1_body(c_ref, xwk_ref, dinvk_ref, dinv_ref, xw_ref, b_ref, pw_ref,
                x0_ref, srow_ref):
    k = pl.program_id(1)

    @pl.when(k == 0)
    def _():
        x0_ref[...] = jnp.zeros_like(x0_ref)

    x0_ref[...] += jnp.dot(c_ref[...].astype(jnp.float32),
                           dinvk_ref[...] * xwk_ref[...],
                           preferred_element_type=jnp.float32)

    @pl.when(k == NK - 1)
    def _():
        dinv = dinv_ref[...]
        xw = xw_ref[...]
        pre = dinv * x0_ref[...] + (2.0 * dinv * dinv) * xw + b_ref[...]
        x0 = jnp.maximum(pre, 0.0)
        x0_ref[...] = x0
        pw = pw_ref[...]
        pwn = pw * lax.rsqrt(jnp.sum(pw * pw))
        s_col = jnp.tanh(jnp.dot(x0, pwn, preferred_element_type=jnp.float32))
        srow_ref[...] = (s_col * _eye(BM)).sum(axis=0, keepdims=True)


def _conv1(C, dinv, xw0, b0r, pw2):
    return pl.pallas_call(
        _conv1_body,
        grid=(NI, NK),
        in_specs=[pl.BlockSpec((BM, BK), lambda i, k: (i, k)),
                  pl.BlockSpec((BK, HID), lambda i, k: (k, 0)),
                  pl.BlockSpec((BK, 1), lambda i, k: (k, 0)),
                  pl.BlockSpec((BM, 1), lambda i, k: (i, 0)),
                  pl.BlockSpec((BM, HID), lambda i, k: (i, 0)),
                  pl.BlockSpec((1, HID), lambda i, k: (0, 0)),
                  pl.BlockSpec((HID, 1), lambda i, k: (0, 0))],
        out_specs=(pl.BlockSpec((BM, HID), lambda i, k: (i, 0)),
                   pl.BlockSpec((1, BM), lambda i, k: (0, i))),
        out_shape=(jax.ShapeDtypeStruct((N, HID), jnp.float32),
                   jax.ShapeDtypeStruct((1, N), jnp.float32)),
    )(C, xw0, dinv, dinv, xw0, b0r, pw2)


def _pool_body(srow_ref, sblk_ref, x0_ref, w1_ref, mcol_ref, mrow_ref, y_ref):
    i = pl.program_id(0)
    s_all = srow_ref[...]
    s_blk = sblk_ref[...]
    s_col = (s_blk * _eye(BM)).sum(axis=1, keepdims=True)
    gt = (s_all > s_col).astype(jnp.float32).sum(axis=1, keepdims=True)
    jg = lax.broadcasted_iota(jnp.int32, (BM, N), 1)
    ig = lax.broadcasted_iota(jnp.int32, (BM, N), 0) + i * BM
    eqc = ((s_all == s_col) & (jg < ig)).astype(jnp.float32).sum(
        axis=1, keepdims=True)
    rank = gt + eqc
    m = (rank < float(K)).astype(jnp.float32)
    mcol_ref[...] = m
    mrow_ref[...] = (m * _eye(BM)).sum(axis=0, keepdims=True)
    y_ref[...] = jnp.dot(x0_ref[...] * (s_col * m), w1_ref[...],
                         preferred_element_type=jnp.float32)


def _pool(score_row, x0, W1):
    return pl.pallas_call(
        _pool_body,
        grid=(NI,),
        in_specs=[pl.BlockSpec((1, N), lambda i: (0, 0)),
                  pl.BlockSpec((1, BM), lambda i: (0, i)),
                  pl.BlockSpec((BM, HID), lambda i: (i, 0)),
                  pl.BlockSpec((HID, HID), lambda i: (0, 0))],
        out_specs=(pl.BlockSpec((BM, 1), lambda i: (i, 0)),
                   pl.BlockSpec((1, BM), lambda i: (0, i)),
                   pl.BlockSpec((BM, HID), lambda i: (i, 0))),
        out_shape=(jax.ShapeDtypeStruct((N, 1), jnp.float32),
                   jax.ShapeDtypeStruct((1, N), jnp.float32),
                   jax.ShapeDtypeStruct((N, HID), jnp.float32)),
    )(score_row, score_row, x0, W1)


def _stats_body(cik_ref, cki_ref, mrow_ref, mcol_ref, diag_ref,
                u1c_ref, u1r_ref, dfull_ref):
    i, k = pl.program_id(0), pl.program_id(1)

    @pl.when(k == 0)
    def _():
        u1c_ref[...] = jnp.zeros_like(u1c_ref)
        dfull_ref[...] = jnp.zeros_like(dfull_ref)

    cik = cik_ref[...].astype(jnp.float32)
    u1c_ref[...] += (cik * mrow_ref[...]).sum(axis=1, keepdims=True)
    prod = jnp.dot(cik_ref[...], cki_ref[...],
                   preferred_element_type=jnp.float32)
    dfull_ref[...] += (prod * _eye(BM)).sum(axis=1, keepdims=True)

    @pl.when(k == NK - 1)
    def _():
        c = diag_ref[...]
        u1 = u1c_ref[...] + (1.0 - c) * mcol_ref[...]
        u1c_ref[...] = u1
        u1r_ref[...] = (u1 * _eye(BM)).sum(axis=0, keepdims=True)
        dfull_ref[...] = 1.0 + dfull_ref[...] - c * c


def _stats(C, m_row, m_col, cdiag):
    return pl.pallas_call(
        _stats_body,
        grid=(NI, NK),
        in_specs=[pl.BlockSpec((BM, BK), lambda i, k: (i, k)),
                  pl.BlockSpec((BK, BM), lambda i, k: (k, i)),
                  pl.BlockSpec((1, BK), lambda i, k: (0, k)),
                  pl.BlockSpec((BM, 1), lambda i, k: (i, 0)),
                  pl.BlockSpec((BM, 1), lambda i, k: (i, 0))],
        out_specs=(pl.BlockSpec((BM, 1), lambda i, k: (i, 0)),
                   pl.BlockSpec((1, BM), lambda i, k: (0, i)),
                   pl.BlockSpec((BM, 1), lambda i, k: (i, 0))),
        out_shape=(jax.ShapeDtypeStruct((N, 1), jnp.float32),
                   jax.ShapeDtypeStruct((1, N), jnp.float32),
                   jax.ShapeDtypeStruct((N, 1), jnp.float32)),
    )(C, C, m_row, m_col, cdiag)


def _u2_body(c_ref, u1r_ref, u1c_ref, diag_ref, mcol_ref, dfull_ref, y_ref,
             dinvp_ref, z_ref):
    k = pl.program_id(1)

    @pl.when(k == 0)
    def _():
        dinvp_ref[...] = jnp.zeros_like(dinvp_ref)

    dinvp_ref[...] += (c_ref[...].astype(jnp.float32)
                       * u1r_ref[...]).sum(axis=1, keepdims=True)

    @pl.when(k == NK - 1)
    def _():
        c = diag_ref[...]
        u2 = dinvp_ref[...] + (1.0 - c) * u1c_ref[...]
        deg_pool = mcol_ref[...] * (u2 - dfull_ref[...]) + 2.0
        dinvp = lax.rsqrt(deg_pool)
        dinvp_ref[...] = dinvp
        z_ref[...] = dinvp * y_ref[...]


def _u2(C, u1r, u1c, cdiag, m_col, dfull, y):
    return pl.pallas_call(
        _u2_body,
        grid=(NI, NK),
        in_specs=[pl.BlockSpec((BM, BK), lambda i, k: (i, k)),
                  pl.BlockSpec((1, BK), lambda i, k: (0, k)),
                  pl.BlockSpec((BM, 1), lambda i, k: (i, 0)),
                  pl.BlockSpec((BM, 1), lambda i, k: (i, 0)),
                  pl.BlockSpec((BM, 1), lambda i, k: (i, 0)),
                  pl.BlockSpec((BM, 1), lambda i, k: (i, 0)),
                  pl.BlockSpec((BM, HID), lambda i, k: (i, 0))],
        out_specs=(pl.BlockSpec((BM, 1), lambda i, k: (i, 0)),
                   pl.BlockSpec((BM, HID), lambda i, k: (i, 0))),
        out_shape=(jax.ShapeDtypeStruct((N, 1), jnp.float32),
                   jax.ShapeDtypeStruct((N, HID), jnp.float32)),
    )(C, u1r, u1c, cdiag, m_col, dfull, y)


def _t1_body(c_ref, zk_ref, zi_ref, diag_ref, t1_ref):
    k = pl.program_id(1)

    @pl.when(k == 0)
    def _():
        t1_ref[...] = jnp.zeros_like(t1_ref)

    t1_ref[...] += jnp.dot(c_ref[...].astype(jnp.float32), zk_ref[...],
                           preferred_element_type=jnp.float32)

    @pl.when(k == NK - 1)
    def _():
        t1_ref[...] += (1.0 - diag_ref[...]) * zi_ref[...]


def _t1(C, z, cdiag):
    return pl.pallas_call(
        _t1_body,
        grid=(NI, NK),
        in_specs=[pl.BlockSpec((BM, BK), lambda i, k: (i, k)),
                  pl.BlockSpec((BK, HID), lambda i, k: (k, 0)),
                  pl.BlockSpec((BM, HID), lambda i, k: (i, 0)),
                  pl.BlockSpec((BM, 1), lambda i, k: (i, 0))],
        out_specs=pl.BlockSpec((BM, HID), lambda i, k: (i, 0)),
        out_shape=jax.ShapeDtypeStruct((N, HID), jnp.float32),
    )(C, z, z, cdiag)


def _t2_body(c_ref, t1k_ref, t1i_ref, diag_ref, dinvp_ref, dfull_ref,
             zi_ref, mcol_ref, x0_ref, b1_ref, xr_ref):
    k = pl.program_id(1)

    @pl.when(k == 0)
    def _():
        xr_ref[...] = jnp.zeros_like(xr_ref)

    xr_ref[...] += jnp.dot(c_ref[...].astype(jnp.float32), t1k_ref[...],
                           preferred_element_type=jnp.float32)

    @pl.when(k == NK - 1)
    def _():
        z = zi_ref[...]
        t2 = xr_ref[...] + (1.0 - diag_ref[...]) * t1i_ref[...]
        outp = dinvp_ref[...] * (t2 - dfull_ref[...] * z + 2.0 * z) + b1_ref[...]
        xr_ref[...] = x0_ref[...] + mcol_ref[...] * jnp.maximum(outp, 0.0)


def _t2(C, t1, cdiag, dinvp, dfull, z, m_col, x0, b1r):
    return pl.pallas_call(
        _t2_body,
        grid=(NI, NK),
        in_specs=[pl.BlockSpec((BM, BK), lambda i, k: (i, k)),
                  pl.BlockSpec((BK, HID), lambda i, k: (k, 0)),
                  pl.BlockSpec((BM, HID), lambda i, k: (i, 0)),
                  pl.BlockSpec((BM, 1), lambda i, k: (i, 0)),
                  pl.BlockSpec((BM, 1), lambda i, k: (i, 0)),
                  pl.BlockSpec((BM, 1), lambda i, k: (i, 0)),
                  pl.BlockSpec((BM, HID), lambda i, k: (i, 0)),
                  pl.BlockSpec((BM, 1), lambda i, k: (i, 0)),
                  pl.BlockSpec((BM, HID), lambda i, k: (i, 0)),
                  pl.BlockSpec((1, HID), lambda i, k: (0, 0))],
        out_specs=pl.BlockSpec((BM, HID), lambda i, k: (i, 0)),
        out_shape=jax.ShapeDtypeStruct((N, HID), jnp.float32),
    )(C, t1, t1, cdiag, dinvp, dfull, z, m_col, x0, b1r)


def _mm2_body(xr_ref, w2_ref, dinv_ref, xw2_ref, g_ref):
    xw2 = jnp.dot(xr_ref[...], w2_ref[...], preferred_element_type=jnp.float32)
    xw2_ref[...] = xw2
    g_ref[...] = dinv_ref[...] * xw2


def _mm2(xr, W2, dinv):
    return pl.pallas_call(
        _mm2_body,
        grid=(NI,),
        in_specs=[pl.BlockSpec((BM, HID), lambda i: (i, 0)),
                  pl.BlockSpec((HID, OUT), lambda i: (0, 0)),
                  pl.BlockSpec((BM, 1), lambda i: (i, 0))],
        out_specs=(pl.BlockSpec((BM, OUT), lambda i: (i, 0)),
                   pl.BlockSpec((BM, OUT), lambda i: (i, 0))),
        out_shape=(jax.ShapeDtypeStruct((N, OUT), jnp.float32),
                   jax.ShapeDtypeStruct((N, OUT), jnp.float32)),
    )(xr, W2, dinv)


def _conv3_body(c_ref, g_ref, dinv_ref, xw2_ref, b_ref, out_ref):
    k = pl.program_id(1)

    @pl.when(k == 0)
    def _():
        out_ref[...] = jnp.zeros_like(out_ref)

    out_ref[...] += jnp.dot(c_ref[...].astype(jnp.float32), g_ref[...],
                            preferred_element_type=jnp.float32)

    @pl.when(k == NK - 1)
    def _():
        dinv = dinv_ref[...]
        o = (dinv * out_ref[...] + (2.0 * dinv * dinv) * xw2_ref[...]
             + b_ref[...])
        mx = jnp.max(o, axis=1, keepdims=True)
        out_ref[...] = o - mx - jnp.log(
            jnp.sum(jnp.exp(o - mx), axis=1, keepdims=True))


def _conv3(C, g, dinv, xw2, b2r):
    return pl.pallas_call(
        _conv3_body,
        grid=(NI, NK),
        in_specs=[pl.BlockSpec((BM, BK), lambda i, k: (i, k)),
                  pl.BlockSpec((BK, OUT), lambda i, k: (k, 0)),
                  pl.BlockSpec((BM, 1), lambda i, k: (i, 0)),
                  pl.BlockSpec((BM, OUT), lambda i, k: (i, 0)),
                  pl.BlockSpec((1, OUT), lambda i, k: (0, 0))],
        out_specs=pl.BlockSpec((BM, OUT), lambda i, k: (i, 0)),
        out_shape=jax.ShapeDtypeStruct((N, OUT), jnp.float32),
    )(C, g, dinv, xw2, b2r)


def kernel(x, edge_index, W0, b0, pw, W1, b1, W2, b2):
    src = edge_index[0]
    dst = edge_index[1]
    cflat = _build_c(src, dst)
    C = cflat.reshape(N, N)

    xw0 = _mm0(x, W0)
    dinv, cdiag, Cbf = _prep(C)
    x0, score_row = _conv1(Cbf, dinv, xw0, b0.reshape(1, HID),
                           pw.reshape(HID, 1))
    m_col, m_row, y = _pool(score_row, x0, W1)
    u1c, u1r, dfull = _stats(Cbf, m_row, m_col, cdiag)
    dinvp, z = _u2(Cbf, u1r, u1c, cdiag, m_col, dfull, y)
    t1 = _t1(Cbf, z, cdiag)
    xr = _t2(Cbf, t1, cdiag, dinvp, dfull, z, m_col, x0, b1.reshape(1, HID))
    xw2, g = _mm2(xr, W2, dinv)
    return _conv3(Cbf, g, dinv, xw2, b2.reshape(1, OUT))

# --- scband reference (transcript-rebuilt; emitter-appended) ---
"""Pipeline reference for scband-my-graph-unet-26182120636974 (READ-ONLY COPY).

The authoritative reference and input builder live on the scoring server;
editing this copy changes nothing except your own understanding.
"""

import jax, jax.numpy as jnp
import numpy as np

N = 4096
E = 131072
IN = 256
HID = 256
OUT = 64
K = 2048  # ceil(0.5 * N), TopKPooling ratio 0.5


def setup_inputs(seed: int = 0) -> dict:
    key = jax.random.key(seed)
    ks = jax.random.split(key, 10)
    x = jax.random.normal(ks[0], (N, IN), dtype=jnp.float32)
    edge_index = jax.random.randint(ks[1], (2, E), 0, N, dtype=jnp.int32)
    # GraphUNet params (depth=1, sum_res=True):
    # down_convs[0]: GCNConv(IN, HID, improved=True)
    W0 = jax.random.normal(ks[2], (IN, HID), dtype=jnp.float32) / np.sqrt(IN)
    b0 = jnp.zeros((HID,), dtype=jnp.float32)
    # pools[0]: TopKPooling(HID, 0.5) attention weight
    pw = jax.random.normal(ks[3], (HID,), dtype=jnp.float32) / np.sqrt(HID)
    # down_convs[1]: GCNConv(HID, HID, improved=True)
    W1 = jax.random.normal(ks[4], (HID, HID), dtype=jnp.float32) / np.sqrt(HID)
    b1 = jnp.zeros((HID,), dtype=jnp.float32)
    # up_convs[0]: GCNConv(HID, OUT, improved=True)
    W2 = jax.random.normal(ks[5], (HID, OUT), dtype=jnp.float32) / np.sqrt(HID)
    b2 = jnp.zeros((OUT,), dtype=jnp.float32)
    return {"x": x, "edge_index": edge_index, "W0": W0, "b0": b0, "pw": pw,
            "W1": W1, "b1": b1, "W2": W2, "b2": b2}


def _gcn_sparse(x, src, dst, W, b, n):
    # GCNConv improved=True, edge_weight=1, add_self_loops (fill=2.0), flow source_to_target
    xw = x @ W
    deg = jnp.zeros((n,), jnp.float32).at[dst].add(jnp.ones_like(dst, jnp.float32)) + 2.0
    dinv = jnp.where(deg > 0, 1.0 / jnp.sqrt(deg), 0.0)
    norm = dinv[src] * dinv[dst]
    out = jnp.zeros((n, W.shape[1]), jnp.float32).at[dst].add(norm[:, None] * xw[src])
    out = out + (2.0 * dinv * dinv)[:, None] * xw  # self-loop messages
    return out + b


def _gcn_dense(x, A, W, b):
    # GCNConv improved=True on dense weighted adjacency A (no self loops)
    n = A.shape[0]
    M = A + 2.0 * jnp.eye(n, dtype=jnp.float32)
    deg = M.sum(axis=0)  # scatter over col (flow source_to_target)
    dinv = jnp.where(deg > 0, 1.0 / jnp.sqrt(deg), 0.0)
    Nrm = dinv[:, None] * M * dinv[None, :]
    return Nrm.T @ (x @ W) + b


def reference(x, edge_index, W0, b0, pw, W1, b1, W2, b2):
    src, dst = edge_index[0], edge_index[1]
    # ---- down conv 0 on original sparse graph + relu ----
    x0 = jax.nn.relu(_gcn_sparse(x, src, dst, W0, b0, N))
    # ---- augment_adj: (A_no_selfloop + I)^2 with diagonal removed (spspmm equiv, dense) ----
    w = jnp.where(src != dst, 1.0, 0.0).astype(jnp.float32)
    A = jnp.zeros((N, N), jnp.float32).at[src, dst].add(w)
    M = A + jnp.eye(N, dtype=jnp.float32)
    M2 = M @ M
    M2 = M2 * (1.0 - jnp.eye(N, dtype=jnp.float32))
    # ---- TopKPooling(ratio=0.5, tanh) ----
    score = jnp.tanh((x0 @ pw) / jnp.linalg.norm(pw))
    topv, perm = jax.lax.top_k(score, K)
    xp = x0[perm] * topv[:, None]
    A2p = M2[perm][:, perm]
    # ---- down conv 1 on pooled graph + relu ----
    x1 = jax.nn.relu(_gcn_dense(xp, A2p, W1, b1))
    # ---- unpool: up[perm] = x1; sum residual ----
    up = jnp.zeros((N, HID), jnp.float32).at[perm].set(x1)
    xr = x0 + up
    # ---- up conv (no activation at last layer) ----
    out = _gcn_sparse(xr, src, dst, W2, b2, N)
    # ---- module wrapper: log_softmax over classes ----
    return jax.nn.log_softmax(out, axis=1)

if __name__ == "__main__":
    import jax
    _d = setup_inputs()
    print(jax.jit(kernel)(*tuple(_d.values())))

</pallas_src>

<mosaic_0001>
#map = affine_map<(d0, d1) -> (0)>
module attributes {stable_mosaic.version = 14 : i64} {
  func.func @_build_c_kernel(%arg0: i32, %arg1: i32, %arg2: memref<131072xi32, #tpu.memory_space<hbm>>, %arg3: memref<131072xi32, #tpu.memory_space<hbm>>, %arg4: memref<16777216xf32, #tpu.memory_space<hbm>>, %arg5: memref<1048576xf32, #tpu.memory_space<vmem_shared>>, %arg6: memref<32768xf32, #tpu.memory_space<vmem>>, %arg7: memref<8192xi32, #tpu.memory_space<vmem>>, %arg8: memref<8192xi32, #tpu.memory_space<vmem>>, %arg9: memref<8192xi32, #tpu.memory_space<vmem>>, %arg10: memref<8192xf32, #tpu.memory_space<vmem>>, %arg11: memref<!tpu.dma_semaphore, #tpu.memory_space<semaphore_mem>>) attributes {dimension_semantics = [#tpu.dimension_semantics<core_parallel>, #tpu.dimension_semantics<subcore_parallel>], iteration_bounds = array<i64: 2, 16>, scalar_prefetch = 0 : i64, scratch_operands = 7 : i64, tpu.core_type = #tpu.core_type<sc_vector_subcore>, window_params = [{transform_indices = #map}, {transform_indices = #map}, {transform_indices = #map}]} {
    %scan3A = arith.constant 0 : i32
    %scan3A_0 = arith.constant 0 : i32
    %scan3A_1 = arith.constant 2048 : i32
    %scan3A_2 = arith.addi %scan3A_0, %scan3A_1 : i32
    %scan3A_3 = arith.constant 1 : i32
    scf.for %scan3A_14 = %scan3A_0 to %scan3A_2 step %scan3A_3  : i32 {
      %broadcast_in_dim3A = arith.constant 0.000000e+00 : f32
      %broadcast_in_dim3A_15 = vector.broadcast %broadcast_in_dim3A : f32 to vector<16xf32>
      %mul3A_16 = arith.constant 16 : i32
      %mul3A_17 = arith.muli %scan3A_14, %mul3A_16 : i32
      %swap3A = arith.index_cast %mul3A_17 : i32 to index
      %swap3A_18 = tpu.vector_load %arg6[%swap3A] {strides = array<i32>} : memref<32768xf32, #tpu.memory_space<vmem>>, vector<16xf32>,
      %swap3A_19 = vector.shape_cast %swap3A_18 : vector<16xf32> to vector<16xf32>
      %swap3A_20 = vector.shape_cast %broadcast_in_dim3A_15 : vector<16xf32> to vector<16xf32>
      tpu.vector_store %arg6[%swap3A], %swap3A_20 {strides = array<i32>} : memref<32768xf32, #tpu.memory_space<vmem>>, vector<16xf32>,
    }
    %scan3A_4 = arith.constant 2048 : i32
    %mul3A = arith.constant 8192 : i32
    %mul3A_5 = arith.muli %arg1, %mul3A : i32
    "tpu.region"() ({
      %run_scoped3A = tpu.sem_alloc : memref<!tpu.dma_semaphore, #tpu.memory_space<semaphore_mem>>
      %dma_start3A = tpu.memref_slice %arg2[%mul3A_5] : memref<131072xi32, #tpu.memory_space<hbm>> -> memref<8192xi32, #tpu.memory_space<hbm>>
      %dma_start3A_14 = tpu.memref_slice %arg2[%mul3A_5] : memref<131072xi32, #tpu.memory_space<hbm>> -> memref<8192xi32, #tpu.memory_space<hbm>>
      tpu.enqueue_dma source(%dma_start3A_14 : memref<8192xi32, #tpu.memory_space<hbm>>) target(%arg7 : memref<8192xi32, #tpu.memory_space<vmem>>) target_semaphore(%run_scoped3A : memref<!tpu.dma_semaphore, #tpu.memory_space<semaphore_mem>>)
      %dma_wait3A = tpu.memref_slice %arg2[%mul3A_5] : memref<131072xi32, #tpu.memory_space<hbm>> -> memref<8192xi32, #tpu.memory_space<hbm>>
      %dma_wait3A_15 = tpu.memref_slice %arg2[%mul3A_5] : memref<131072xi32, #tpu.memory_space<hbm>> -> memref<8192xi32, #tpu.memory_space<hbm>>
      tpu.wait_dma2 semaphore(%run_scoped3A : memref<!tpu.dma_semaphore, #tpu.memory_space<semaphore_mem>>) src(%dma_wait3A_15 : memref<8192xi32, #tpu.memory_space<hbm>>) dst(%arg7 : memref<8192xi32, #tpu.memory_space<vmem>>)
      tpu.yield
    }) : () -> ()
    %mul3A_6 = arith.constant 8192 : i32
    %mul3A_7 = arith.muli %arg1, %mul3A_6 : i32
    "tpu.region"() ({
      %run_scoped3A = tpu.sem_alloc : memref<!tpu.dma_semaphore, #tpu.memory_space<semaphore_mem>>
      %dma_start3A = tpu.memref_slice %arg3[%mul3A_7] : memref<131072xi32, #tpu.memory_space<hbm>> -> memref<8192xi32, #tpu.memory_space<hbm>>
      %dma_start3A_14 = tpu.memref_slice %arg3[%mul3A_7] : memref<131072xi32, #tpu.memory_space<hbm>> -> memref<8192xi32, #tpu.memory_space<hbm>>
      tpu.enqueue_dma source(%dma_start3A_14 : memref<8192xi32, #tpu.memory_space<hbm>>) target(%arg8 : memref<8192xi32, #tpu.memory_space<vmem>>) target_semaphore(%run_scoped3A : memref<!tpu.dma_semaphore, #tpu.memory_space<semaphore_mem>>)
      %dma_wait3A = tpu.memref_slice %arg3[%mul3A_7] : memref<131072xi32, #tpu.memory_space<hbm>> -> memref<8192xi32, #tpu.memory_space<hbm>>
      %dma_wait3A_15 = tpu.memref_slice %arg3[%mul3A_7] : memref<131072xi32, #tpu.memory_space<hbm>> -> memref<8192xi32, #tpu.memory_space<hbm>>
      tpu.wait_dma2 semaphore(%run_scoped3A : memref<!tpu.dma_semaphore, #tpu.memory_space<semaphore_mem>>) src(%dma_wait3A_15 : memref<8192xi32, #tpu.memory_space<hbm>>) dst(%arg8 : memref<8192xi32, #tpu.memory_space<vmem>>)
      tpu.yield
    }) : () -> ()
    %scan3A_8 = arith.constant 0 : i32
    %scan3A_9 = arith.constant 0 : i32
    %scan3A_10 = arith.constant 8 : i32
    %scan3A_11 = arith.addi %scan3A_9, %scan3A_10 : i32
    %scan3A_12 = arith.constant 1 : i32
    scf.for %scan3A_14 = %scan3A_9 to %scan3A_11 step %scan3A_12  : i32 {
      %mul3A_15 = arith.constant 2 : i32
      %mul3A_16 = arith.muli %mul3A_15, %scan3A_14 : i32
      %add3A = arith.addi %arg0, %mul3A_16 : i32
      %mul3A_17 = arith.constant 256 : i32
      %mul3A_18 = arith.muli %add3A, %mul3A_17 : i32
      %mul3A_19 = arith.constant 65536 : i32
      %mul3A_20 = arith.muli %arg1, %mul3A_19 : i32
      "tpu.region"() ({
        %run_scoped3A = tpu.sem_alloc : memref<!tpu.dma_semaphore, #tpu.memory_space<semaphore_mem>>
        %dma_start3A = tpu.memref_slice %arg5[%mul3A_20] : memref<1048576xf32, #tpu.memory_space<vmem_shared>> -> memref<32768xf32, #tpu.memory_space<vmem_shared>>
        %dma_start3A_40 = tpu.memref_slice %arg5[%mul3A_20] : memref<1048576xf32, #tpu.memory_space<vmem_shared>> -> memref<32768xf32, #tpu.memory_space<vmem_shared>>
        tpu.enqueue_dma source(%arg6 : memref<32768xf32, #tpu.memory_space<vmem>>) target(%dma_start3A_40 : memref<32768xf32, #tpu.memory_space<vmem_shared>>) target_semaphore(%run_scoped3A : memref<!tpu.dma_semaphore, #tpu.memory_space<semaphore_mem>>)
        %dma_wait3A = tpu.memref_slice %arg5[%mul3A_20] : memref<1048576xf32, #tpu.memory_space<vmem_shared>> -> memref<32768xf32, #tpu.memory_space<vmem_shared>>
        %dma_wait3A_41 = tpu.memref_slice %arg5[%mul3A_20] : memref<1048576xf32, #tpu.memory_space<vmem_shared>> -> memref<32768xf32, #tpu.memory_space<vmem_shared>>
        tpu.wait_dma2 semaphore(%run_scoped3A : memref<!tpu.dma_semaphore, #tpu.memory_space<semaphore_mem>>) src(%arg6 : memref<32768xf32, #tpu.memory_space<vmem>>) dst(%dma_wait3A_41 : memref<32768xf32, #tpu.memory_space<vmem_shared>>)
        tpu.yield
      }) : () -> ()
      %mul3A_21 = arith.constant 65536 : i32
      %mul3A_22 = arith.muli %arg1, %mul3A_21 : i32
      %add3A_23 = arith.constant 32768 : i32
      %add3A_24 = arith.addi %mul3A_22, %add3A_23 : i32
      "tpu.region"() ({
        %run_scoped3A = tpu.sem_alloc : memref<!tpu.dma_semaphore, #tpu.memory_space<semaphore_mem>>
        %dma_start3A = tpu.memref_slice %arg5[%add3A_24] : memref<1048576xf32, #tpu.memory_space<vmem_shared>> -> memref<32768xf32, #tpu.memory_space<vmem_shared>>
        %dma_start3A_40 = tpu.memref_slice %arg5[%add3A_24] : memref<1048576xf32, #tpu.memory_space<vmem_shared>> -> memref<32768xf32, #tpu.memory_space<vmem_shared>>
        tpu.enqueue_dma source(%arg6 : memref<32768xf32, #tpu.memory_space<vmem>>) target(%dma_start3A_40 : memref<32768xf32, #tpu.memory_space<vmem_shared>>) target_semaphore(%run_scoped3A : memref<!tpu.dma_semaphore, #tpu.memory_space<semaphore_mem>>)
        %dma_wait3A = tpu.memref_slice %arg5[%add3A_24] : memref<1048576xf32, #tpu.memory_space<vmem_shared>> -> memref<32768xf32, #tpu.memory_space<vmem_shared>>
        %dma_wait3A_41 = tpu.memref_slice %arg5[%add3A_24] : memref<1048576xf32, #tpu.memory_space<vmem_shared>> -> memref<32768xf32, #tpu.memory_space<vmem_shared>>
        tpu.wait_dma2 semaphore(%run_scoped3A : memref<!tpu.dma_semaphore, #tpu.memory_space<semaphore_mem>>) src(%arg6 : memref<32768xf32, #tpu.memory_space<vmem>>) dst(%dma_wait3A_41 : memref<32768xf32, #tpu.memory_space<vmem_shared>>)
        tpu.yield
      }) : () -> ()
      %barrier3A = arith.constant 0 : index
      tpu.barrier barrier_id(%barrier3A)
      %scan3A_25 = arith.constant 0 : i32
      %scan3A_26 = arith.constant 0 : i32
      %scan3A_27 = arith.constant 512 : i32
      %scan3A_28 = arith.addi %scan3A_26, %scan3A_27 : i32
      %scan3A_29 = arith.constant 1 : i32
      scf.for %scan3A_40 = %scan3A_26 to %scan3A_28 step %scan3A_29  : i32 {
        %mul3A_41 = arith.constant 16 : i32
        %mul3A_42 = arith.muli %scan3A_40, %mul3A_41 : i32
        %get3A = arith.index_cast %mul3A_42 : i32 to index
        %get3A_43 = tpu.vector_load %arg7[%get3A] {strides = array<i32>} : memref<8192xi32, #tpu.memory_space<vmem>>, vector<16xi32>,
        %get3A_44 = vector.shape_cast %get3A_43 : vector<16xi32> to vector<16xi32>
        %mul3A_45 = arith.constant 16 : i32
        %mul3A_46 = arith.muli %scan3A_40, %mul3A_45 : i32
        %get3A_47 = arith.index_cast %mul3A_46 : i32 to index
        %get3A_48 = tpu.vector_load %arg8[%get3A_47] {strides = array<i32>} : memref<8192xi32, #tpu.memory_space<vmem>>, vector<16xi32>,
        %get3A_49 = vector.shape_cast %get3A_48 : vector<16xi32> to vector<16xi32>
        %ge3A = vector.broadcast %mul3A_18 : i32 to vector<16xi32>
        %ge3A_50 = arith.cmpi sge, %get3A_49, %ge3A : vector<16xi32>
        %add3A_51 = arith.constant 256 : i32
        %add3A_52 = arith.addi %mul3A_18, %add3A_51 : i32
        %lt3A = vector.broadcast %add3A_52 : i32 to vector<16xi32>
        %lt3A_53 = arith.cmpi slt, %get3A_49, %lt3A : vector<16xi32>
        %and3A = arith.andi %ge3A_50, %lt3A_53 : vector<16xi1>
        %mul3A_54 = arith.constant 8192 : i32
        %mul3A_55 = arith.muli %arg1, %mul3A_54 : i32
        %mul3A_56 = arith.constant 16 : i32
        %mul3A_57 = arith.muli %scan3A_40, %mul3A_56 : i32
        %add3A_58 = arith.addi %mul3A_55, %mul3A_57 : i32
        %iota3A = tpu.iota {dimensions = array<i32: 0>} : vector<16xi32>
        %add3A_59 = vector.broadcast %add3A_58 : i32 to vector<16xi32>
        %add3A_60 = arith.addi %add3A_59, %iota3A : vector<16xi32>
        %mul3A_61 = arith.constant 61 : i32
        %mul3A_62 = vector.broadcast %mul3A_61 : i32 to vector<16xi32>
        %mul3A_63 = arith.muli %add3A_60, %mul3A_62 : vector<16xi32>
        %and3A_64 = arith.constant 1048575 : i32
        %and3A_65 = vector.broadcast %and3A_64 : i32 to vector<16xi32>
        %and3A_66 = arith.andi %mul3A_63, %and3A_65 : vector<16xi32>
        %sub3A = vector.broadcast %mul3A_18 : i32 to vector<16xi32>
        %sub3A_67 = arith.subi %get3A_49, %sub3A : vector<16xi32>
        %mul3A_68 = arith.constant 4096 : i32
        %mul3A_69 = vector.broadcast %mul3A_68 : i32 to vector<16xi32>
        %mul3A_70 = arith.muli %sub3A_67, %mul3A_69 : vector<16xi32>
        %add3A_71 = arith.addi %mul3A_70, %get3A_44 : vector<16xi32>
        %select_n3A = arith.select %and3A, %add3A_71, %and3A_66 : vector<16xi1>, vector<16xi32>
        %broadcast_in_dim3A = arith.constant 1.000000e+00 : f32
        %broadcast_in_dim3A_72 = vector.broadcast %broadcast_in_dim3A : f32 to vector<16xf32>
        %broadcast_in_dim3A_73 = arith.constant 0.000000e+00 : f32
        %broadcast_in_dim3A_74 = vector.broadcast %broadcast_in_dim3A_73 : f32 to vector<16xf32>
        %select_n3A_75 = arith.select %and3A, %broadcast_in_dim3A_72, %broadcast_in_dim3A_74 : vector<16xi1>, vector<16xf32>
        %mul3A_76 = arith.constant 16 : i32
        %mul3A_77 = arith.muli %scan3A_40, %mul3A_76 : i32
        %swap3A = arith.index_cast %mul3A_77 : i32 to index
        %swap3A_78 = tpu.vector_load %arg9[%swap3A] {strides = array<i32>} : memref<8192xi32, #tpu.memory_space<vmem>>, vector<16xi32>,
        %swap3A_79 = vector.shape_cast %swap3A_78 : vector<16xi32> to vector<16xi32>
        %swap3A_80 = vector.shape_cast %select_n3A : vector<16xi32> to vector<16xi32>
        tpu.vector_store %arg9[%swap3A], %swap3A_80 {strides = array<i32>} : memref<8192xi32, #tpu.memory_space<vmem>>, vector<16xi32>,
        %mul3A_81 = arith.constant 16 : i32
        %mul3A_82 = arith.muli %scan3A_40, %mul3A_81 : i32
        %swap3A_83 = arith.index_cast %mul3A_82 : i32 to index
        %swap3A_84 = tpu.vector_load %arg10[%swap3A_83] {strides = array<i32>} : memref<8192xf32, #tpu.memory_space<vmem>>, vector<16xf32>,
        %swap3A_85 = vector.shape_cast %swap3A_84 : vector<16xf32> to vector<16xf32>
        %swap3A_86 = vector.shape_cast %select_n3A_75 : vector<16xf32> to vector<16xf32>
        tpu.vector_store %arg10[%swap3A_83], %swap3A_86 {strides = array<i32>} : memref<8192xf32, #tpu.memory_space<vmem>>, vector<16xf32>,
      }
      %scan3A_30 = arith.constant 512 : i32
      "tpu.region"() ({
        %run_scoped3A = tpu.sem_alloc : memref<!tpu.dma_semaphore, #tpu.memory_space<semaphore_mem>>
        %dma_start3A = arith.constant 0 : i32
        %dma_start3A_40 = tpu.memref_slice %arg5[%dma_start3A] : memref<1048576xf32, #tpu.memory_space<vmem_shared>> -> memref<1048576xf32, #tpu.memory_space<vmem_shared>>
        tpu.enqueue_indirect_dma source(%arg10 : memref<8192xf32, #tpu.memory_space<vmem>>) target(%dma_start3A_40 : memref<1048576xf32, #tpu.memory_space<vmem_shared>>) offsets(%arg9 : memref<8192xi32, #tpu.memory_space<vmem>>) semaphore(%run_scoped3A : memref<!tpu.dma_semaphore, #tpu.memory_space<semaphore_mem>>) {add = true}
        %dma_wait3A = arith.constant 0 : i32
        %dma_wait3A_41 = tpu.memref_slice %arg5[%dma_wait3A] : memref<1048576xf32, #tpu.memory_space<vmem_shared>> -> memref<1048576xf32, #tpu.memory_space<vmem_shared>>
        tpu.wait_indirect_dma semaphore(%run_scoped3A : memref<!tpu.dma_semaphore, #tpu.memory_space<semaphore_mem>>) src(%arg10 : memref<8192xf32, #tpu.memory_space<vmem>>) dst(%dma_wait3A_41 : memref<1048576xf32, #tpu.memory_space<vmem_shared>>)
        tpu.yield
      }) : () -> ()
      %barrier3A_31 = arith.constant 0 : index
      tpu.barrier barrier_id(%barrier3A_31)
      %mul3A_32 = arith.constant 65536 : i32
      %mul3A_33 = arith.muli %arg1, %mul3A_32 : i32
      %mul3A_34 = arith.constant 1048576 : i32
      %mul3A_35 = arith.muli %add3A, %mul3A_34 : i32
      %mul3A_36 = arith.constant 65536 : i32
      %mul3A_37 = arith.muli %arg1, %mul3A_36 : i32
      %add3A_38 = arith.addi %mul3A_35, %mul3A_37 : i32
      "tpu.region"() ({
        %run_scoped3A = tpu.sem_alloc : memref<!tpu.dma_semaphore, #tpu.memory_space<semaphore_mem>>
        %dma_start3A = tpu.memref_slice %arg4[%add3A_38] : memref<16777216xf32, #tpu.memory_space<hbm>> -> memref<65536xf32, #tpu.memory_space<hbm>>
        %dma_start3A_40 = tpu.memref_slice %arg5[%mul3A_33] : memref<1048576xf32, #tpu.memory_space<vmem_shared>> -> memref<65536xf32, #tpu.memory_space<vmem_shared>>
        tpu.enqueue_dma source(%dma_start3A_40 : memref<65536xf32, #tpu.memory_space<vmem_shared>>) target(%dma_start3A : memref<65536xf32, #tpu.memory_space<hbm>>) target_semaphore(%run_scoped3A : memref<!tpu.dma_semaphore, #tpu.memory_space<semaphore_mem>>)
        %dma_wait3A = tpu.memref_slice %arg4[%add3A_38] : memref<16777216xf32, #tpu.memory_space<hbm>> -> memref<65536xf32, #tpu.memory_space<hbm>>
        %dma_wait3A_41 = tpu.memref_slice %arg5[%mul3A_33] : memref<1048576xf32, #tpu.memory_space<vmem_shared>> -> memref<65536xf32, #tpu.memory_space<vmem_shared>>
        tpu.wait_dma2 semaphore(%run_scoped3A : memref<!tpu.dma_semaphore, #tpu.memory_space<semaphore_mem>>) src(%dma_wait3A_41 : memref<65536xf32, #tpu.memory_space<vmem_shared>>) dst(%dma_wait3A : memref<65536xf32, #tpu.memory_space<hbm>>)
        tpu.yield
      }) : () -> ()
      %barrier3A_39 = arith.constant 0 : index
      tpu.barrier barrier_id(%barrier3A_39)
    }
    %scan3A_13 = arith.constant 8 : i32
    return
  }
}

module attributes {stable_mosaic.version = 14 : i64} {
  func.func @_mm0_body(%arg0: i32, %arg1: memref<512x256xf32, #tpu.memory_space<vmem>>, %arg2: memref<256x256xf32, #tpu.memory_space<vmem>>, %arg3: memref<512x256xf32, #tpu.memory_space<vmem>>) attributes {dimension_semantics = [#tpu.dimension_semantics<arbitrary>], iteration_bounds = array<i64: 8>, scalar_prefetch = 0 : i64, scratch_operands = 0 : i64, tpu.core_type = #tpu.core_type<tc>, window_params = [{transform_indices = @transform_0, window_bounds = array<i64: 512, 256>}, {pipeline_mode = #tpu.pipeline_mode<synchronous>, transform_indices = @transform_1, window_bounds = array<i64: 256, 256>}, {transform_indices = @transform_2, window_bounds = array<i64: 512, 256>}]} {
    %get3A = arith.constant 0 : index
    %get3A_0 = arith.constant 0 : index
    %get3A_1 = vector.load %arg1[%get3A, %get3A_0] : memref<512x256xf32, #tpu.memory_space<vmem>>, vector<512x256xf32>
    %get3A_2 = arith.constant 0 : index
    %get3A_3 = arith.constant 0 : index
    %get3A_4 = vector.load %arg2[%get3A_2, %get3A_3] : memref<256x256xf32, #tpu.memory_space<vmem>>, vector<256x256xf32>
    %dot_general3A = arith.constant dense<0.000000e+00> : vector<512x256xf32>
    %dot_general3A_5 = tpu.matmul %get3A_1, %get3A_4, %dot_general3A {dimension_numbers = #tpu.dot_dimension_numbers<[1], [0], [0], [1], [0, 0, 1, 1], [], []>, transpose_lhs_hint = false} : vector<512x256xf32>, vector<256x256xf32>, vector<512x256xf32> -> vector<512x256xf32>
    %swap3A = arith.constant 0 : index
    %swap3A_6 = arith.constant 0 : index
    %swap3A_7 = vector.load %arg3[%swap3A, %swap3A_6] : memref<512x256xf32, #tpu.memory_space<vmem>>, vector<512x256xf32>
    tpu.vector_store %arg3[%swap3A, %swap3A_6], %dot_general3A_5 {strides = array<i32>} : memref<512x256xf32, #tpu.memory_space<vmem>>, vector<512x256xf32>,
    return
  }
  func.func @transform_0(%arg0: i32) -> (i32, i32) {
    %c0_i32 = arith.constant 0 : i32
    %c0_i32_0 = arith.constant 0 : i32
    return %arg0, %c0_i32 : i32, i32
  }
  func.func @transform_1(%arg0: i32) -> (i32, i32) {
    %c0_i32 = arith.constant 0 : i32
    %c0_i32_0 = arith.constant 0 : i32
    %c0_i32_1 = arith.constant 0 : i32
    return %c0_i32, %c0_i32_0 : i32, i32
  }
  func.func @transform_2(%arg0: i32) -> (i32, i32) {
    %c0_i32 = arith.constant 0 : i32
    %c0_i32_0 = arith.constant 0 : i32
    return %arg0, %c0_i32 : i32, i32
  }
}

module attributes {stable_mosaic.version = 14 : i64} {
  func.func @_prep_body(%arg0: i32, %arg1: i32, %arg2: memref<512x2048xf32, #tpu.memory_space<vmem>>, %arg3: memref<512x1xf32, #tpu.memory_space<vmem>>, %arg4: memref<512x1xf32, #tpu.memory_space<vmem>>, %arg5: memref<512x2048xbf16, #tpu.memory_space<vmem>>) attributes {dimension_semantics = [#tpu.dimension_semantics<arbitrary>, #tpu.dimension_semantics<arbitrary>], iteration_bounds = array<i64: 8, 2>, scalar_prefetch = 0 : i64, scratch_operands = 0 : i64, tpu.core_type = #tpu.core_type<tc>, window_params = [{transform_indices = @transform_0, window_bounds = array<i64: 512, 2048>}, {transform_indices = @transform_1, window_bounds = array<i64: 512, 1>}, {transform_indices = @transform_2, window_bounds = array<i64: 512, 1>}, {transform_indices = @transform_3, window_bounds = array<i64: 512, 2048>}]} {
    %eq3A = arith.constant 0 : i32
    %eq3A_0 = arith.cmpi eq, %arg1, %eq3A : i32
    %convert_element_type3A = arith.extui %eq3A_0 : i1 to i32
    %cond3A = arith.constant 0 : i32
    %cond3A_1 = arith.cmpi ne, %convert_element_type3A, %cond3A : i32
    scf.if %cond3A_1 {
      %broadcast_in_dim3A_41 = arith.constant 0.000000e+00 : f32
      %broadcast_in_dim3A_42 = vector.broadcast %broadcast_in_dim3A_41 : f32 to vector<512x1xf32>
      %swap3A_43 = arith.constant 0 : index
      %swap3A_44 = arith.constant 0 : index
      %swap3A_45 = vector.load %arg3[%swap3A_43, %swap3A_44] : memref<512x1xf32, #tpu.memory_space<vmem>>, vector<512x1xf32>
      tpu.vector_store %arg3[%swap3A_43, %swap3A_44], %broadcast_in_dim3A_42 {strides = array<i32>} : memref<512x1xf32, #tpu.memory_space<vmem>>, vector<512x1xf32>,
      %broadcast_in_dim3A_46 = arith.constant 0.000000e+00 : f32
      %broadcast_in_dim3A_47 = vector.broadcast %broadcast_in_dim3A_46 : f32 to vector<512x1xf32>
      %swap3A_48 = arith.constant 0 : index
      %swap3A_49 = arith.constant 0 : index
      %swap3A_50 = vector.load %arg4[%swap3A_48, %swap3A_49] : memref<512x1xf32, #tpu.memory_space<vmem>>, vector<512x1xf32>
      tpu.vector_store %arg4[%swap3A_48, %swap3A_49], %broadcast_in_dim3A_47 {strides = array<i32>} : memref<512x1xf32, #tpu.memory_space<vmem>>, vector<512x1xf32>,
    } else {
    }
    %get3A = arith.constant 0 : index
    %get3A_2 = arith.constant 0 : index
    %get3A_3 = vector.load %arg2[%get3A, %get3A_2] : memref<512x2048xf32, #tpu.memory_space<vmem>>, vector<512x2048xf32>
    %convert_element_type3A_4 = arith.truncf %get3A_3 : vector<512x2048xf32> to vector<512x2048xbf16>
    %swap3A = arith.constant 0 : index
    %swap3A_5 = arith.constant 0 : index
    %swap3A_6 = vector.load %arg5[%swap3A, %swap3A_5] : memref<512x2048xbf16, #tpu.memory_space<vmem>>, vector<512x2048xbf16>
    tpu.vector_store %arg5[%swap3A, %swap3A_5], %convert_element_type3A_4 {strides = array<i32>} : memref<512x2048xbf16, #tpu.memory_space<vmem>>, vector<512x2048xbf16>,
    %get3A_7 = arith.constant 0 : index
    %get3A_8 = arith.constant 0 : index
    %get3A_9 = vector.load %arg3[%get3A_7, %get3A_8] : memref<512x1xf32, #tpu.memory_space<vmem>>, vector<512x1xf32>
    %reduce_sum3A = arith.constant dense<0.000000e+00> : vector<512xf32>
    %reduce_sum3A_10 = vector.multi_reduction <add>, %get3A_3, %reduce_sum3A [1] : vector<512x2048xf32> to vector<512xf32>
    %broadcast_in_dim3A = vector.shape_cast %reduce_sum3A_10 : vector<512xf32> to vector<512x1xf32>
    %add3A = arith.addf %get3A_9, %broadcast_in_dim3A : vector<512x1xf32>
    %swap3A_11 = arith.constant 0 : index
    %swap3A_12 = arith.constant 0 : index
    %swap3A_13 = vector.load %arg3[%swap3A_11, %swap3A_12] : memref<512x1xf32, #tpu.memory_space<vmem>>, vector<512x1xf32>
    tpu.vector_store %arg3[%swap3A_11, %swap3A_12], %add3A {strides = array<i32>} : memref<512x1xf32, #tpu.memory_space<vmem>>, vector<512x1xf32>,
    %iota3A = tpu.iota {dimensions = array<i32: 0>} : vector<512x2048xi32>
    %mul3A = arith.constant 512 : i32
    %mul3A_14 = arith.muli %arg0, %mul3A : i32
    %add3A_15 = vector.broadcast %mul3A_14 : i32 to vector<512x2048xi32>
    %add3A_16 = arith.addi %iota3A, %add3A_15 : vector<512x2048xi32>
    %iota3A_17 = tpu.iota {dimensions = array<i32: 1>} : vector<512x2048xi32>
    %mul3A_18 = arith.constant 2048 : i32
    %mul3A_19 = arith.muli %arg1, %mul3A_18 : i32
    %add3A_20 = vector.broadcast %mul3A_19 : i32 to vector<512x2048xi32>
    %add3A_21 = arith.addi %iota3A_17, %add3A_20 : vector<512x2048xi32>
    %get3A_22 = arith.constant 0 : index
    %get3A_23 = arith.constant 0 : index
    %get3A_24 = vector.load %arg4[%get3A_22, %get3A_23] : memref<512x1xf32, #tpu.memory_space<vmem>>, vector<512x1xf32>
    %eq3A_25 = arith.cmpi eq, %add3A_16, %add3A_21 : vector<512x2048xi32>
    %convert_element_type3A_26 = arith.extui %eq3A_25 : vector<512x2048xi1> to vector<512x2048xi32>
    %convert_element_type3A_27 = arith.sitofp %convert_element_type3A_26 : vector<512x2048xi32> to vector<512x2048xf32>
    %mul3A_28 = arith.mulf %get3A_3, %convert_element_type3A_27 : vector<512x2048xf32>
    %reduce_sum3A_29 = arith.constant dense<0.000000e+00> : vector<512xf32>
    %reduce_sum3A_30 = vector.multi_reduction <add>, %mul3A_28, %reduce_sum3A_29 [1] : vector<512x2048xf32> to vector<512xf32>
    %broadcast_in_dim3A_31 = vector.shape_cast %reduce_sum3A_30 : vector<512xf32> to vector<512x1xf32>
    %add3A_32 = arith.addf %get3A_24, %broadcast_in_dim3A_31 : vector<512x1xf32>
    %swap3A_33 = arith.constant 0 : index
    %swap3A_34 = arith.constant 0 : index
    %swap3A_35 = vector.load %arg4[%swap3A_33, %swap3A_34] : memref<512x1xf32, #tpu.memory_space<vmem>>, vector<512x1xf32>
    tpu.vector_store %arg4[%swap3A_33, %swap3A_34], %add3A_32 {strides = array<i32>} : memref<512x1xf32, #tpu.memory_space<vmem>>, vector<512x1xf32>,
    %eq3A_36 = arith.constant 1 : i32
    %eq3A_37 = arith.cmpi eq, %arg1, %eq3A_36 : i32
    %convert_element_type3A_38 = arith.extui %eq3A_37 : i1 to i32
    %cond3A_39 = arith.constant 0 : i32
    %cond3A_40 = arith.cmpi ne, %convert_element_type3A_38, %cond3A_39 : i32
    scf.if %cond3A_40 {
      %get3A_41 = arith.constant 0 : index
      %get3A_42 = arith.constant 0 : index
      %get3A_43 = vector.load %arg3[%get3A_41, %get3A_42] : memref<512x1xf32, #tpu.memory_space<vmem>>, vector<512x1xf32>
      %add3A_44 = arith.constant 2.000000e+00 : f32
      %add3A_45 = vector.broadcast %add3A_44 : f32 to vector<512x1xf32>
      %add3A_46 = arith.addf %get3A_43, %add3A_45 : vector<512x1xf32>
      %rsqrt3A = math.rsqrt %add3A_46 : vector<512x1xf32>
      %swap3A_47 = arith.constant 0 : index
      %swap3A_48 = arith.constant 0 : index
      %swap3A_49 = vector.load %arg3[%swap3A_47, %swap3A_48] : memref<512x1xf32, #tpu.memory_space<vmem>>, vector<512x1xf32>
      tpu.vector_store %arg3[%swap3A_47, %swap3A_48], %rsqrt3A {strides = array<i32>} : memref<512x1xf32, #tpu.memory_space<vmem>>, vector<512x1xf32>,
    } else {
    }
    return
  }
  func.func @transform_0(%arg0: i32, %arg1: i32) -> (i32, i32) {
    %c0_i32 = arith.constant 0 : i32
    return %arg0, %arg1 : i32, i32
  }
  func.func @transform_1(%arg0: i32, %arg1: i32) -> (i32, i32) {
    %c0_i32 = arith.constant 0 : i32
    %c0_i32_0 = arith.constant 0 : i32
    return %arg0, %c0_i32 : i32, i32
  }
  func.func @transform_2(%arg0: i32, %arg1: i32) -> (i32, i32) {
    %c0_i32 = arith.constant 0 : i32
    %c0_i32_0 = arith.constant 0 : i32
    return %arg0, %c0_i32 : i32, i32
  }
  func.func @transform_3(%arg0: i32, %arg1: i32) -> (i32, i32) {
    %c0_i32 = arith.constant 0 : i32
    return %arg0, %arg1 : i32, i32
  }
}

module attributes {stable_mosaic.version = 14 : i64} {
  func.func @_pool_body(%arg0: i32, %arg1: memref<1x4096xf32, #tpu.memory_space<vmem>>, %arg2: memref<1x512xf32, #tpu.memory_space<vmem>>, %arg3: memref<512x256xf32, #tpu.memory_space<vmem>>, %arg4: memref<256x256xf32, #tpu.memory_space<vmem>>, %arg5: memref<512x1xf32, #tpu.memory_space<vmem>>, %arg6: memref<1x512xf32, #tpu.memory_space<vmem>>, %arg7: memref<512x256xf32, #tpu.memory_space<vmem>>) attributes {dimension_semantics = [#tpu.dimension_semantics<arbitrary>], iteration_bounds = array<i64: 8>, scalar_prefetch = 0 : i64, scratch_operands = 0 : i64, tpu.core_type = #tpu.core_type<tc>, window_params = [{pipeline_mode = #tpu.pipeline_mode<synchronous>, transform_indices = @transform_0, window_bounds = array<i64: 1, 4096>}, {transform_indices = @transform_1, window_bounds = array<i64: 1, 512>}, {transform_indices = @transform_2, window_bounds = array<i64: 512, 256>}, {pipeline_mode = #tpu.pipeline_mode<synchronous>, transform_indices = @transform_3, window_bounds = array<i64: 256, 256>}, {transform_indices = @transform_4, window_bounds = array<i64: 512, 1>}, {transform_indices = @transform_5, window_bounds = array<i64: 1, 512>}, {transform_indices = @transform_6, window_bounds = array<i64: 512, 256>}]} {
    %get3A = arith.constant 0 : index
    %get3A_0 = arith.constant 0 : index
    %get3A_1 = vector.load %arg1[%get3A, %get3A_0] : memref<1x4096xf32, #tpu.memory_space<vmem>>, vector<1x4096xf32>
    %get3A_2 = arith.constant 0 : index
    %get3A_3 = arith.constant 0 : index
    %get3A_4 = vector.load %arg2[%get3A_2, %get3A_3] : memref<1x512xf32, #tpu.memory_space<vmem>>, vector<1x512xf32>
    %iota3A = tpu.iota {dimensions = array<i32: 0>} : vector<512x512xi32>
    %iota3A_5 = tpu.iota {dimensions = array<i32: 1>} : vector<512x512xi32>
    %eq3A = arith.cmpi eq, %iota3A, %iota3A_5 : vector<512x512xi32>
    %convert_element_type3A = arith.extui %eq3A : vector<512x512xi1> to vector<512x512xi32>
    %convert_element_type3A_6 = arith.sitofp %convert_element_type3A : vector<512x512xi32> to vector<512x512xf32>
    %mul3A = vector.broadcast %get3A_4 : vector<1x512xf32> to vector<512x512xf32>
    %mul3A_7 = arith.mulf %mul3A, %convert_element_type3A_6 : vector<512x512xf32>
    %reduce_sum3A = arith.constant dense<0.000000e+00> : vector<512xf32>
    %reduce_sum3A_8 = vector.multi_reduction <add>, %mul3A_7, %reduce_sum3A [1] : vector<512x512xf32> to vector<512xf32>
    %broadcast_in_dim3A = vector.shape_cast %reduce_sum3A_8 : vector<512xf32> to vector<512x1xf32>
    %gt3A = vector.broadcast %get3A_1 : vector<1x4096xf32> to vector<512x4096xf32>
    %gt3A_9 = vector.broadcast %broadcast_in_dim3A : vector<512x1xf32> to vector<512x4096xf32>
    %gt3A_10 = arith.cmpf ogt, %gt3A, %gt3A_9 : vector<512x4096xf32>
    %convert_element_type3A_11 = arith.extui %gt3A_10 : vector<512x4096xi1> to vector<512x4096xi32>
    %convert_element_type3A_12 = arith.sitofp %convert_element_type3A_11 : vector<512x4096xi32> to vector<512x4096xf32>
    %reduce_sum3A_13 = arith.constant dense<0.000000e+00> : vector<512xf32>
    %reduce_sum3A_14 = vector.multi_reduction <add>, %convert_element_type3A_12, %reduce_sum3A_13 [1] : vector<512x4096xf32> to vector<512xf32>
    %broadcast_in_dim3A_15 = vector.shape_cast %reduce_sum3A_14 : vector<512xf32> to vector<512x1xf32>
    %iota3A_16 = tpu.iota {dimensions = array<i32: 1>} : vector<512x4096xi32>
    %iota3A_17 = tpu.iota {dimensions = array<i32: 0>} : vector<512x4096xi32>
    %mul3A_18 = arith.constant 512 : i32
    %mul3A_19 = arith.muli %arg0, %mul3A_18 : i32
    %add3A = vector.broadcast %mul3A_19 : i32 to vector<512x4096xi32>
    %add3A_20 = arith.addi %iota3A_17, %add3A : vector<512x4096xi32>
    %eq3A_21 = vector.broadcast %get3A_1 : vector<1x4096xf32> to vector<512x4096xf32>
    %eq3A_22 = vector.broadcast %broadcast_in_dim3A : vector<512x1xf32> to vector<512x4096xf32>
    %eq3A_23 = arith.cmpf oeq, %eq3A_21, %eq3A_22 : vector<512x4096xf32>
    %lt3A = arith.cmpi slt, %iota3A_16, %add3A_20 : vector<512x4096xi32>
    %and3A = arith.andi %eq3A_23, %lt3A : vector<512x4096xi1>
    %convert_element_type3A_24 = arith.extui %and3A : vector<512x4096xi1> to vector<512x4096xi32>
    %convert_element_type3A_25 = arith.sitofp %convert_element_type3A_24 : vector<512x4096xi32> to vector<512x4096xf32>
    %reduce_sum3A_26 = arith.constant dense<0.000000e+00> : vector<512xf32>
    %reduce_sum3A_27 = vector.multi_reduction <add>, %convert_element_type3A_25, %reduce_sum3A_26 [1] : vector<512x4096xf32> to vector<512xf32>
    %broadcast_in_dim3A_28 = vector.shape_cast %reduce_sum3A_27 : vector<512xf32> to vector<512x1xf32>
    %add3A_29 = arith.addf %broadcast_in_dim3A_15, %broadcast_in_dim3A_28 : vector<512x1xf32>
    %lt3A_30 = arith.constant 2.048000e+03 : f32
    %lt3A_31 = vector.broadcast %lt3A_30 : f32 to vector<512x1xf32>
    %lt3A_32 = arith.cmpf olt, %add3A_29, %lt3A_31 : vector<512x1xf32>
    %convert_element_type3A_33 = arith.extui %lt3A_32 : vector<512x1xi1> to vector<512x1xi32>
    %convert_element_type3A_34 = arith.sitofp %convert_element_type3A_33 : vector<512x1xi32> to vector<512x1xf32>
    %swap3A = arith.constant 0 : index
    %swap3A_35 = arith.constant 0 : index
    %swap3A_36 = vector.load %arg5[%swap3A, %swap3A_35] : memref<512x1xf32, #tpu.memory_space<vmem>>, vector<512x1xf32>
    tpu.vector_store %arg5[%swap3A, %swap3A_35], %convert_element_type3A_34 {strides = array<i32>} : memref<512x1xf32, #tpu.memory_space<vmem>>, vector<512x1xf32>,
    %iota3A_37 = tpu.iota {dimensions = array<i32: 0>} : vector<512x512xi32>
    %iota3A_38 = tpu.iota {dimensions = array<i32: 1>} : vector<512x512xi32>
    %eq3A_39 = arith.cmpi eq, %iota3A_37, %iota3A_38 : vector<512x512xi32>
    %convert_element_type3A_40 = arith.extui %eq3A_39 : vector<512x512xi1> to vector<512x512xi32>
    %convert_element_type3A_41 = arith.sitofp %convert_element_type3A_40 : vector<512x512xi32> to vector<512x512xf32>
    %mul3A_42 = vector.broadcast %convert_element_type3A_34 : vector<512x1xf32> to vector<512x512xf32>
    %mul3A_43 = arith.mulf %mul3A_42, %convert_element_type3A_41 : vector<512x512xf32>
    %reduce_sum3A_44 = arith.constant dense<0.000000e+00> : vector<512xf32>
    %reduce_sum3A_45 = vector.multi_reduction <add>, %mul3A_43, %reduce_sum3A_44 [0] : vector<512x512xf32> to vector<512xf32>
    %broadcast_in_dim3A_46 = vector.shape_cast %reduce_sum3A_45 : vector<512xf32> to vector<1x512xf32>
    %swap3A_47 = arith.constant 0 : index
    %swap3A_48 = arith.constant 0 : index
    %swap3A_49 = vector.load %arg6[%swap3A_47, %swap3A_48] : memref<1x512xf32, #tpu.memory_space<vmem>>, vector<1x512xf32>
    tpu.vector_store %arg6[%swap3A_47, %swap3A_48], %broadcast_in_dim3A_46 {strides = array<i32>} : memref<1x512xf32, #tpu.memory_space<vmem>>, vector<1x512xf32>,
    %get3A_50 = arith.constant 0 : index
    %get3A_51 = arith.constant 0 : index
    %get3A_52 = vector.load %arg3[%get3A_50, %get3A_51] : memref<512x256xf32, #tpu.memory_space<vmem>>, vector<512x256xf32>
    %mul3A_53 = arith.mulf %broadcast_in_dim3A, %convert_element_type3A_34 : vector<512x1xf32>
    %mul3A_54 = vector.broadcast %mul3A_53 : vector<512x1xf32> to vector<512x256xf32>
    %mul3A_55 = arith.mulf %get3A_52, %mul3A_54 : vector<512x256xf32>
    %get3A_56 = arith.constant 0 : index
    %get3A_57 = arith.constant 0 : index
    %get3A_58 = vector.load %arg4[%get3A_56, %get3A_57] : memref<256x256xf32, #tpu.memory_space<vmem>>, vector<256x256xf32>
    %dot_general3A = arith.constant dense<0.000000e+00> : vector<512x256xf32>
    %dot_general3A_59 = tpu.matmul %mul3A_55, %get3A_58, %dot_general3A {dimension_numbers = #tpu.dot_dimension_numbers<[1], [0], [0], [1], [0, 0, 1, 1], [], []>, transpose_lhs_hint = false} : vector<512x256xf32>, vector<256x256xf32>, vector<512x256xf32> -> vector<512x256xf32>
    %swap3A_60 = arith.constant 0 : index
    %swap3A_61 = arith.constant 0 : index
    %swap3A_62 = vector.load %arg7[%swap3A_60, %swap3A_61] : memref<512x256xf32, #tpu.memory_space<vmem>>, vector<512x256xf32>
    tpu.vector_store %arg7[%swap3A_60, %swap3A_61], %dot_general3A_59 {strides = array<i32>} : memref<512x256xf32, #tpu.memory_space<vmem>>, vector<512x256xf32>,
    return
  }
  func.func @transform_0(%arg0: i32) -> (i32, i32) {
    %c0_i32 = arith.constant 0 : i32
    %c0_i32_0 = arith.constant 0 : i32
    %c0_i32_1 = arith.constant 0 : i32
    return %c0_i32, %c0_i32_0 : i32, i32
  }
  func.func @transform_1(%arg0: i32) -> (i32, i32) {
    %c0_i32 = arith.constant 0 : i32
    %c0_i32_0 = arith.constant 0 : i32
    return %c0_i32, %arg0 : i32, i32
  }
  func.func @transform_2(%arg0: i32) -> (i32, i32) {
    %c0_i32 = arith.constant 0 : i32
    %c0_i32_0 = arith.constant 0 : i32
    return %arg0, %c0_i32 : i32, i32
  }
  func.func @transform_3(%arg0: i32) -> (i32, i32) {
    %c0_i32 = arith.constant 0 : i32
    %c0_i32_0 = arith.constant 0 : i32
    %c0_i32_1 = arith.constant 0 : i32
    return %c0_i32, %c0_i32_0 : i32, i32
  }
  func.func @transform_4(%arg0: i32) -> (i32, i32) {
    %c0_i32 = arith.constant 0 : i32
    %c0_i32_0 = arith.constant 0 : i32
    return %arg0, %c0_i32 : i32, i32
  }
  func.func @transform_5(%arg0: i32) -> (i32, i32) {
    %c0_i32 = arith.constant 0 : i32
    %c0_i32_0 = arith.constant 0 : i32
    return %c0_i32, %arg0 : i32, i32
  }
  func.func @transform_6(%arg0: i32) -> (i32, i32) {
    %c0_i32 = arith.constant 0 : i32
    %c0_i32_0 = arith.constant 0 : i32
    return %arg0, %c0_i32 : i32, i32
  }
}

module attributes {stable_mosaic.version = 14 : i64} {
  func.func @_conv1_body(%arg0: i32, %arg1: i32, %arg2: memref<512x2048xbf16, #tpu.memory_space<vmem>>, %arg3: memref<2048x256xf32, #tpu.memory_space<vmem>>, %arg4: memref<2048x1xf32, #tpu.memory_space<vmem>>, %arg5: memref<512x1xf32, #tpu.memory_space<vmem>>, %arg6: memref<512x256xf32, #tpu.memory_space<vmem>>, %arg7: memref<1x256xf32, #tpu.memory_space<vmem>>, %arg8: memref<256x1xf32, #tpu.memory_space<vmem>>, %arg9: memref<512x256xf32, #tpu.memory_space<vmem>>, %arg10: memref<1x512xf32, #tpu.memory_space<vmem>>) attributes {dimension_semantics = [#tpu.dimension_semantics<arbitrary>, #tpu.dimension_semantics<arbitrary>], iteration_bounds = array<i64: 8, 2>, scalar_prefetch = 0 : i64, scratch_operands = 0 : i64, tpu.core_type = #tpu.core_type<tc>, window_params = [{transform_indices = @transform_0, window_bounds = array<i64: 512, 2048>}, {transform_indices = @transform_1, window_bounds = array<i64: 2048, 256>}, {transform_indices = @transform_2, window_bounds = array<i64: 2048, 1>}, {transform_indices = @transform_3, window_bounds = array<i64: 512, 1>}, {transform_indices = @transform_4, window_bounds = array<i64: 512, 256>}, {pipeline_mode = #tpu.pipeline_mode<synchronous>, transform_indices = @transform_5, window_bounds = array<i64: 1, 256>}, {pipeline_mode = #tpu.pipeline_mode<synchronous>, transform_indices = @transform_6, window_bounds = array<i64: 256, 1>}, {transform_indices = @transform_7, window_bounds = array<i64: 512, 256>}, {transform_indices = @transform_8, window_bounds = array<i64: 1, 512>}]} {
    %eq3A = arith.constant 0 : i32
    %eq3A_0 = arith.cmpi eq, %arg1, %eq3A : i32
    %convert_element_type3A = arith.extui %eq3A_0 : i1 to i32
    %cond3A = arith.constant 0 : i32
    %cond3A_1 = arith.cmpi ne, %convert_element_type3A, %cond3A : i32
    scf.if %cond3A_1 {
      %broadcast_in_dim3A = arith.constant 0.000000e+00 : f32
      %broadcast_in_dim3A_23 = vector.broadcast %broadcast_in_dim3A : f32 to vector<512x256xf32>
      %swap3A_24 = arith.constant 0 : index
      %swap3A_25 = arith.constant 0 : index
      %swap3A_26 = vector.load %arg9[%swap3A_24, %swap3A_25] : memref<512x256xf32, #tpu.memory_space<vmem>>, vector<512x256xf32>
      tpu.vector_store %arg9[%swap3A_24, %swap3A_25], %broadcast_in_dim3A_23 {strides = array<i32>} : memref<512x256xf32, #tpu.memory_space<vmem>>, vector<512x256xf32>,
    } else {
    }
    %get3A = arith.constant 0 : index
    %get3A_2 = arith.constant 0 : index
    %get3A_3 = vector.load %arg9[%get3A, %get3A_2] : memref<512x256xf32, #tpu.memory_space<vmem>>, vector<512x256xf32>
    %get3A_4 = arith.constant 0 : index
    %get3A_5 = arith.constant 0 : index
    %get3A_6 = vector.load %arg2[%get3A_4, %get3A_5] : memref<512x2048xbf16, #tpu.memory_space<vmem>>, vector<512x2048xbf16>
    %convert_element_type3A_7 = arith.extf %get3A_6 : vector<512x2048xbf16> to vector<512x2048xf32>
    %get3A_8 = arith.constant 0 : index
    %get3A_9 = arith.constant 0 : index
    %get3A_10 = vector.load %arg4[%get3A_8, %get3A_9] : memref<2048x1xf32, #tpu.memory_space<vmem>>, vector<2048x1xf32>
    %get3A_11 = arith.constant 0 : index
    %get3A_12 = arith.constant 0 : index
    %get3A_13 = vector.load %arg3[%get3A_11, %get3A_12] : memref<2048x256xf32, #tpu.memory_space<vmem>>, vector<2048x256xf32>
    %mul3A = vector.broadcast %get3A_10 : vector<2048x1xf32> to vector<2048x256xf32>
    %mul3A_14 = arith.mulf %mul3A, %get3A_13 : vector<2048x256xf32>
    %dot_general3A = arith.constant dense<0.000000e+00> : vector<512x256xf32>
    %dot_general3A_15 = tpu.matmul %convert_element_type3A_7, %mul3A_14, %dot_general3A {dimension_numbers = #tpu.dot_dimension_numbers<[1], [0], [0], [1], [0, 0, 1, 1], [], []>, transpose_lhs_hint = false} : vector<512x2048xf32>, vector<2048x256xf32>, vector<512x256xf32> -> vector<512x256xf32>
    %add3A = arith.addf %get3A_3, %dot_general3A_15 : vector<512x256xf32>
    %swap3A = arith.constant 0 : index
    %swap3A_16 = arith.constant 0 : index
    %swap3A_17 = vector.load %arg9[%swap3A, %swap3A_16] : memref<512x256xf32, #tpu.memory_space<vmem>>, vector<512x256xf32>
    tpu.vector_store %arg9[%swap3A, %swap3A_16], %add3A {strides = array<i32>} : memref<512x256xf32, #tpu.memory_space<vmem>>, vector<512x256xf32>,
    %eq3A_18 = arith.constant 1 : i32
    %eq3A_19 = arith.cmpi eq, %arg1, %eq3A_18 : i32
    %convert_element_type3A_20 = arith.extui %eq3A_19 : i1 to i32
    %cond3A_21 = arith.constant 0 : i32
    %cond3A_22 = arith.cmpi ne, %convert_element_type3A_20, %cond3A_21 : i32
    scf.if %cond3A_22 {
      %get3A_23 = arith.constant 0 : index
      %get3A_24 = arith.constant 0 : index
      %get3A_25 = vector.load %arg5[%get3A_23, %get3A_24] : memref<512x1xf32, #tpu.memory_space<vmem>>, vector<512x1xf32>
      %get3A_26 = arith.constant 0 : index
      %get3A_27 = arith.constant 0 : index
      %get3A_28 = vector.load %arg6[%get3A_26, %get3A_27] : memref<512x256xf32, #tpu.memory_space<vmem>>, vector<512x256xf32>
      %get3A_29 = arith.constant 0 : index
      %get3A_30 = arith.constant 0 : index
      %get3A_31 = vector.load %arg9[%get3A_29, %get3A_30] : memref<512x256xf32, #tpu.memory_space<vmem>>, vector<512x256xf32>
      %mul3A_32 = vector.broadcast %get3A_25 : vector<512x1xf32> to vector<512x256xf32>
      %mul3A_33 = arith.mulf %mul3A_32, %get3A_31 : vector<512x256xf32>
      %mul3A_34 = arith.constant 2.000000e+00 : f32
      %mul3A_35 = vector.broadcast %mul3A_34 : f32 to vector<512x1xf32>
      %mul3A_36 = arith.mulf %mul3A_35, %get3A_25 : vector<512x1xf32>
      %mul3A_37 = arith.mulf %mul3A_36, %get3A_25 : vector<512x1xf32>
      %mul3A_38 = vector.broadcast %mul3A_37 : vector<512x1xf32> to vector<512x256xf32>
      %mul3A_39 = arith.mulf %mul3A_38, %get3A_28 : vector<512x256xf32>
      %add3A_40 = arith.addf %mul3A_33, %mul3A_39 : vector<512x256xf32>
      %get3A_41 = arith.constant 0 : index
      %get3A_42 = arith.constant 0 : index
      %get3A_43 = vector.load %arg7[%get3A_41, %get3A_42] : memref<1x256xf32, #tpu.memory_space<vmem>>, vector<1x256xf32>
      %add3A_44 = vector.broadcast %get3A_43 : vector<1x256xf32> to vector<512x256xf32>
      %add3A_45 = arith.addf %add3A_40, %add3A_44 : vector<512x256xf32>
      %max3A = arith.constant 0.000000e+00 : f32
      %max3A_46 = vector.broadcast %max3A : f32 to vector<512x256xf32>
      %max3A_47 = arith.maximumf %add3A_45, %max3A_46 : vector<512x256xf32>
      %swap3A_48 = arith.constant 0 : index
      %swap3A_49 = arith.constant 0 : index
      %swap3A_50 = vector.load %arg9[%swap3A_48, %swap3A_49] : memref<512x256xf32, #tpu.memory_space<vmem>>, vector<512x256xf32>
      tpu.vector_store %arg9[%swap3A_48, %swap3A_49], %max3A_47 {strides = array<i32>} : memref<512x256xf32, #tpu.memory_space<vmem>>, vector<512x256xf32>,
      %get3A_51 = arith.constant 0 : index
      %get3A_52 = arith.constant 0 : index
      %get3A_53 = vector.load %arg8[%get3A_51, %get3A_52] : memref<256x1xf32, #tpu.memory_space<vmem>>, vector<256x1xf32>
      %mul3A_54 = arith.mulf %get3A_53, %get3A_53 : vector<256x1xf32>
      %reduce_sum3A = vector.shape_cast %mul3A_54 : vector<256x1xf32> to vector<1x256x1xf32>
      %reduce_sum3A_55 = arith.constant dense<0.000000e+00> : vector<1xf32>
      %reduce_sum3A_56 = vector.multi_reduction <add>, %reduce_sum3A, %reduce_sum3A_55 [1, 2] : vector<1x256x1xf32> to vector<1xf32>
      %reduce_sum3A_57 = vector.shape_cast %reduce_sum3A_56 : vector<1xf32> to vector<1x1x1xf32>
      %reduce_sum3A_58 = vector.extract %reduce_sum3A_57[0, 0, 0] : f32 from vector<1x1x1xf32>
      %rsqrt3A = math.rsqrt %reduce_sum3A_58 : f32
      %mul3A_59 = vector.broadcast %rsqrt3A : f32 to vector<256x1xf32>
      %mul3A_60 = arith.mulf %get3A_53, %mul3A_59 : vector<256x1xf32>
      %dot_general3A_61 = arith.constant dense<0.000000e+00> : vector<512x1xf32>
      %dot_general3A_62 = tpu.matmul %max3A_47, %mul3A_60, %dot_general3A_61 {dimension_numbers = #tpu.dot_dimension_numbers<[1], [0], [0], [1], [0, 0, 1, 1], [], []>, transpose_lhs_hint = false} : vector<512x256xf32>, vector<256x1xf32>, vector<512x1xf32> -> vector<512x1xf32>
      %tanh3A = math.tanh %dot_general3A_62 : vector<512x1xf32>
      %iota3A = tpu.iota {dimensions = array<i32: 0>} : vector<512x512xi32>
      %iota3A_63 = tpu.iota {dimensions = array<i32: 1>} : vector<512x512xi32>
      %eq3A_64 = arith.cmpi eq, %iota3A, %iota3A_63 : vector<512x512xi32>
      %convert_element_type3A_65 = arith.extui %eq3A_64 : vector<512x512xi1> to vector<512x512xi32>
      %convert_element_type3A_66 = arith.sitofp %convert_element_type3A_65 : vector<512x512xi32> to vector<512x512xf32>
      %mul3A_67 = vector.broadcast %tanh3A : vector<512x1xf32> to vector<512x512xf32>
      %mul3A_68 = arith.mulf %mul3A_67, %convert_element_type3A_66 : vector<512x512xf32>
      %reduce_sum3A_69 = arith.constant dense<0.000000e+00> : vector<512xf32>
      %reduce_sum3A_70 = vector.multi_reduction <add>, %mul3A_68, %reduce_sum3A_69 [0] : vector<512x512xf32> to vector<512xf32>
      %broadcast_in_dim3A = vector.shape_cast %reduce_sum3A_70 : vector<512xf32> to vector<1x512xf32>
      %swap3A_71 = arith.constant 0 : index
      %swap3A_72 = arith.constant 0 : index
      %swap3A_73 = vector.load %arg10[%swap3A_71, %swap3A_72] : memref<1x512xf32, #tpu.memory_space<vmem>>, vector<1x512xf32>
      tpu.vector_store %arg10[%swap3A_71, %swap3A_72], %broadcast_in_dim3A {strides = array<i32>} : memref<1x512xf32, #tpu.memory_space<vmem>>, vector<1x512xf32>,
    } else {
    }
    return
  }
  func.func @transform_0(%arg0: i32, %arg1: i32) -> (i32, i32) {
    %c0_i32 = arith.constant 0 : i32
    return %arg0, %arg1 : i32, i32
  }
  func.func @transform_1(%arg0: i32, %arg1: i32) -> (i32, i32) {
    %c0_i32 = arith.constant 0 : i32
    %c0_i32_0 = arith.constant 0 : i32
    return %arg1, %c0_i32 : i32, i32
  }
  func.func @transform_2(%arg0: i32, %arg1: i32) -> (i32, i32) {
    %c0_i32 = arith.constant 0 : i32
    %c0_i32_0 = arith.constant 0 : i32
    return %arg1, %c0_i32 : i32, i32
  }
  func.func @transform_3(%arg0: i32, %arg1: i32) -> (i32, i32) {
    %c0_i32 = arith.constant 0 : i32
    %c0_i32_0 = arith.constant 0 : i32
    return %arg0, %c0_i32 : i32, i32
  }
  func.func @transform_4(%arg0: i32, %arg1: i32) -> (i32, i32) {
    %c0_i32 = arith.constant 0 : i32
    %c0_i32_0 = arith.constant 0 : i32
    return %arg0, %c0_i32 : i32, i32
  }
  func.func @transform_5(%arg0: i32, %arg1: i32) -> (i32, i32) {
    %c0_i32 = arith.constant 0 : i32
    %c0_i32_0 = arith.constant 0 : i32
    %c0_i32_1 = arith.constant 0 : i32
    return %c0_i32, %c0_i32_0 : i32, i32
  }
  func.func @transform_6(%arg0: i32, %arg1: i32) -> (i32, i32) {
    %c0_i32 = arith.constant 0 : i32
    %c0_i32_0 = arith.constant 0 : i32
    %c0_i32_1 = arith.constant 0 : i32
    return %c0_i32, %c0_i32_0 : i32, i32
  }
  func.func @transform_7(%arg0: i32, %arg1: i32) -> (i32, i32) {
    %c0_i32 = arith.constant 0 : i32
    %c0_i32_0 = arith.constant 0 : i32
    return %arg0, %c0_i32 : i32, i32
  }
  func.func @transform_8(%arg0: i32, %arg1: i32) -> (i32, i32) {
    %c0_i32 = arith.constant 0 : i32
    %c0_i32_0 = arith.constant 0 : i32
    return %c0_i32, %arg0 : i32, i32
  }
}

module attributes {stable_mosaic.version = 14 : i64} {
  func.func @_stats_body(%arg0: i32, %arg1: i32, %arg2: memref<512x2048xbf16, #tpu.memory_space<vmem>>, %arg3: memref<2048x512xbf16, #tpu.memory_space<vmem>>, %arg4: memref<1x2048xf32, #tpu.memory_space<vmem>>, %arg5: memref<512x1xf32, #tpu.memory_space<vmem>>, %arg6: memref<512x1xf32, #tpu.memory_space<vmem>>, %arg7: memref<512x1xf32, #tpu.memory_space<vmem>>, %arg8: memref<1x512xf32, #tpu.memory_space<vmem>>, %arg9: memref<512x1xf32, #tpu.memory_space<vmem>>) attributes {dimension_semantics = [#tpu.dimension_semantics<arbitrary>, #tpu.dimension_semantics<arbitrary>], iteration_bounds = array<i64: 8, 2>, scalar_prefetch = 0 : i64, scratch_operands = 0 : i64, tpu.core_type = #tpu.core_type<tc>, window_params = [{transform_indices = @transform_0, window_bounds = array<i64: 512, 2048>}, {transform_indices = @transform_1, window_bounds = array<i64: 2048, 512>}, {transform_indices = @transform_2, window_bounds = array<i64: 1, 2048>}, {transform_indices = @transform_3, window_bounds = array<i64: 512, 1>}, {transform_indices = @transform_4, window_bounds = array<i64: 512, 1>}, {transform_indices = @transform_5, window_bounds = array<i64: 512, 1>}, {transform_indices = @transform_6, window_bounds = array<i64: 1, 512>}, {transform_indices = @transform_7, window_bounds = array<i64: 512, 1>}]} {
    %eq3A = arith.constant 0 : i32
    %eq3A_0 = arith.cmpi eq, %arg1, %eq3A : i32
    %convert_element_type3A = arith.extui %eq3A_0 : i1 to i32
    %cond3A = arith.constant 0 : i32
    %cond3A_1 = arith.cmpi ne, %convert_element_type3A, %cond3A : i32
    scf.if %cond3A_1 {
      %broadcast_in_dim3A_42 = arith.constant 0.000000e+00 : f32
      %broadcast_in_dim3A_43 = vector.broadcast %broadcast_in_dim3A_42 : f32 to vector<512x1xf32>
      %swap3A_44 = arith.constant 0 : index
      %swap3A_45 = arith.constant 0 : index
      %swap3A_46 = vector.load %arg7[%swap3A_44, %swap3A_45] : memref<512x1xf32, #tpu.memory_space<vmem>>, vector<512x1xf32>
      tpu.vector_store %arg7[%swap3A_44, %swap3A_45], %broadcast_in_dim3A_43 {strides = array<i32>} : memref<512x1xf32, #tpu.memory_space<vmem>>, vector<512x1xf32>,
      %broadcast_in_dim3A_47 = arith.constant 0.000000e+00 : f32
      %broadcast_in_dim3A_48 = vector.broadcast %broadcast_in_dim3A_47 : f32 to vector<512x1xf32>
      %swap3A_49 = arith.constant 0 : index
      %swap3A_50 = arith.constant 0 : index
      %swap3A_51 = vector.load %arg9[%swap3A_49, %swap3A_50] : memref<512x1xf32, #tpu.memory_space<vmem>>, vector<512x1xf32>
      tpu.vector_store %arg9[%swap3A_49, %swap3A_50], %broadcast_in_dim3A_48 {strides = array<i32>} : memref<512x1xf32, #tpu.memory_space<vmem>>, vector<512x1xf32>,
    } else {
    }
    %get3A = arith.constant 0 : index
    %get3A_2 = arith.constant 0 : index
    %get3A_3 = vector.load %arg2[%get3A, %get3A_2] : memref<512x2048xbf16, #tpu.memory_space<vmem>>, vector<512x2048xbf16>
    %convert_element_type3A_4 = arith.extf %get3A_3 : vector<512x2048xbf16> to vector<512x2048xf32>
    %get3A_5 = arith.constant 0 : index
    %get3A_6 = arith.constant 0 : index
    %get3A_7 = vector.load %arg7[%get3A_5, %get3A_6] : memref<512x1xf32, #tpu.memory_space<vmem>>, vector<512x1xf32>
    %get3A_8 = arith.constant 0 : index
    %get3A_9 = arith.constant 0 : index
    %get3A_10 = vector.load %arg4[%get3A_8, %get3A_9] : memref<1x2048xf32, #tpu.memory_space<vmem>>, vector<1x2048xf32>
    %mul3A = vector.broadcast %get3A_10 : vector<1x2048xf32> to vector<512x2048xf32>
    %mul3A_11 = arith.mulf %convert_element_type3A_4, %mul3A : vector<512x2048xf32>
    %reduce_sum3A = arith.constant dense<0.000000e+00> : vector<512xf32>
    %reduce_sum3A_12 = vector.multi_reduction <add>, %mul3A_11, %reduce_sum3A [1] : vector<512x2048xf32> to vector<512xf32>
    %broadcast_in_dim3A = vector.shape_cast %reduce_sum3A_12 : vector<512xf32> to vector<512x1xf32>
    %add3A = arith.addf %get3A_7, %broadcast_in_dim3A : vector<512x1xf32>
    %swap3A = arith.constant 0 : index
    %swap3A_13 = arith.constant 0 : index
    %swap3A_14 = vector.load %arg7[%swap3A, %swap3A_13] : memref<512x1xf32, #tpu.memory_space<vmem>>, vector<512x1xf32>
    tpu.vector_store %arg7[%swap3A, %swap3A_13], %add3A {strides = array<i32>} : memref<512x1xf32, #tpu.memory_space<vmem>>, vector<512x1xf32>,
    %get3A_15 = arith.constant 0 : index
    %get3A_16 = arith.constant 0 : index
    %get3A_17 = vector.load %arg2[%get3A_15, %get3A_16] : memref<512x2048xbf16, #tpu.memory_space<vmem>>, vector<512x2048xbf16>
    %get3A_18 = arith.constant 0 : index
    %get3A_19 = arith.constant 0 : index
    %get3A_20 = vector.load %arg3[%get3A_18, %get3A_19] : memref<2048x512xbf16, #tpu.memory_space<vmem>>, vector<2048x512xbf16>
    %dot_general3A = arith.constant dense<0.000000e+00> : vector<512x512xf32>
    %dot_general3A_21 = tpu.matmul %get3A_17, %get3A_20, %dot_general3A {dimension_numbers = #tpu.dot_dimension_numbers<[1], [0], [0], [1], [0, 0, 1, 1], [], []>, transpose_lhs_hint = false} : vector<512x2048xbf16>, vector<2048x512xbf16>, vector<512x512xf32> -> vector<512x512xf32>
    %get3A_22 = arith.constant 0 : index
    %get3A_23 = arith.constant 0 : index
    %get3A_24 = vector.load %arg9[%get3A_22, %get3A_23] : memref<512x1xf32, #tpu.memory_space<vmem>>, vector<512x1xf32>
    %iota3A = tpu.iota {dimensions = array<i32: 0>} : vector<512x512xi32>
    %iota3A_25 = tpu.iota {dimensions = array<i32: 1>} : vector<512x512xi32>
    %eq3A_26 = arith.cmpi eq, %iota3A, %iota3A_25 : vector<512x512xi32>
    %convert_element_type3A_27 = arith.extui %eq3A_26 : vector<512x512xi1> to vector<512x512xi32>
    %convert_element_type3A_28 = arith.sitofp %convert_element_type3A_27 : vector<512x512xi32> to vector<512x512xf32>
    %mul3A_29 = arith.mulf %dot_general3A_21, %convert_element_type3A_28 : vector<512x512xf32>
    %reduce_sum3A_30 = arith.constant dense<0.000000e+00> : vector<512xf32>
    %reduce_sum3A_31 = vector.multi_reduction <add>, %mul3A_29, %reduce_sum3A_30 [1] : vector<512x512xf32> to vector<512xf32>
    %broadcast_in_dim3A_32 = vector.shape_cast %reduce_sum3A_31 : vector<512xf32> to vector<512x1xf32>
    %add3A_33 = arith.addf %get3A_24, %broadcast_in_dim3A_32 : vector<512x1xf32>
    %swap3A_34 = arith.constant 0 : index
    %swap3A_35 = arith.constant 0 : index
    %swap3A_36 = vector.load %arg9[%swap3A_34, %swap3A_35] : memref<512x1xf32, #tpu.memory_space<vmem>>, vector<512x1xf32>
    tpu.vector_store %arg9[%swap3A_34, %swap3A_35], %add3A_33 {strides = array<i32>} : memref<512x1xf32, #tpu.memory_space<vmem>>, vector<512x1xf32>,
    %eq3A_37 = arith.constant 1 : i32
    %eq3A_38 = arith.cmpi eq, %arg1, %eq3A_37 : i32
    %convert_element_type3A_39 = arith.extui %eq3A_38 : i1 to i32
    %cond3A_40 = arith.constant 0 : i32
    %cond3A_41 = arith.cmpi ne, %convert_element_type3A_39, %cond3A_40 : i32
    scf.if %cond3A_41 {
      %get3A_42 = arith.constant 0 : index
      %get3A_43 = arith.constant 0 : index
      %get3A_44 = vector.load %arg6[%get3A_42, %get3A_43] : memref<512x1xf32, #tpu.memory_space<vmem>>, vector<512x1xf32>
      %get3A_45 = arith.constant 0 : index
      %get3A_46 = arith.constant 0 : index
      %get3A_47 = vector.load %arg7[%get3A_45, %get3A_46] : memref<512x1xf32, #tpu.memory_space<vmem>>, vector<512x1xf32>
      %sub3A = arith.constant 1.000000e+00 : f32
      %sub3A_48 = vector.broadcast %sub3A : f32 to vector<512x1xf32>
      %sub3A_49 = arith.subf %sub3A_48, %get3A_44 : vector<512x1xf32>
      %get3A_50 = arith.constant 0 : index
      %get3A_51 = arith.constant 0 : index
      %get3A_52 = vector.load %arg5[%get3A_50, %get3A_51] : memref<512x1xf32, #tpu.memory_space<vmem>>, vector<512x1xf32>
      %mul3A_53 = arith.mulf %sub3A_49, %get3A_52 : vector<512x1xf32>
      %add3A_54 = arith.addf %get3A_47, %mul3A_53 : vector<512x1xf32>
      %swap3A_55 = arith.constant 0 : index
      %swap3A_56 = arith.constant 0 : index
      %swap3A_57 = vector.load %arg7[%swap3A_55, %swap3A_56] : memref<512x1xf32, #tpu.memory_space<vmem>>, vector<512x1xf32>
      tpu.vector_store %arg7[%swap3A_55, %swap3A_56], %add3A_54 {strides = array<i32>} : memref<512x1xf32, #tpu.memory_space<vmem>>, vector<512x1xf32>,
      %iota3A_58 = tpu.iota {dimensions = array<i32: 0>} : vector<512x512xi32>
      %iota3A_59 = tpu.iota {dimensions = array<i32: 1>} : vector<512x512xi32>
      %eq3A_60 = arith.cmpi eq, %iota3A_58, %iota3A_59 : vector<512x512xi32>
      %convert_element_type3A_61 = arith.extui %eq3A_60 : vector<512x512xi1> to vector<512x512xi32>
      %convert_element_type3A_62 = arith.sitofp %convert_element_type3A_61 : vector<512x512xi32> to vector<512x512xf32>
      %mul3A_63 = vector.broadcast %add3A_54 : vector<512x1xf32> to vector<512x512xf32>
      %mul3A_64 = arith.mulf %mul3A_63, %convert_element_type3A_62 : vector<512x512xf32>
      %reduce_sum3A_65 = arith.constant dense<0.000000e+00> : vector<512xf32>
      %reduce_sum3A_66 = vector.multi_reduction <add>, %mul3A_64, %reduce_sum3A_65 [0] : vector<512x512xf32> to vector<512xf32>
      %broadcast_in_dim3A_67 = vector.shape_cast %reduce_sum3A_66 : vector<512xf32> to vector<1x512xf32>
      %swap3A_68 = arith.constant 0 : index
      %swap3A_69 = arith.constant 0 : index
      %swap3A_70 = vector.load %arg8[%swap3A_68, %swap3A_69] : memref<1x512xf32, #tpu.memory_space<vmem>>, vector<1x512xf32>
      tpu.vector_store %arg8[%swap3A_68, %swap3A_69], %broadcast_in_dim3A_67 {strides = array<i32>} : memref<1x512xf32, #tpu.memory_space<vmem>>, vector<1x512xf32>,
      %get3A_71 = arith.constant 0 : index
      %get3A_72 = arith.constant 0 : index
      %get3A_73 = vector.load %arg9[%get3A_71, %get3A_72] : memref<512x1xf32, #tpu.memory_space<vmem>>, vector<512x1xf32>
      %add3A_74 = arith.constant 1.000000e+00 : f32
      %add3A_75 = vector.broadcast %add3A_74 : f32 to vector<512x1xf32>
      %add3A_76 = arith.addf %add3A_75, %get3A_73 : vector<512x1xf32>
      %mul3A_77 = arith.mulf %get3A_44, %get3A_44 : vector<512x1xf32>
      %sub3A_78 = arith.subf %add3A_76, %mul3A_77 : vector<512x1xf32>
      %swap3A_79 = arith.constant 0 : index
      %swap3A_80 = arith.constant 0 : index
      %swap3A_81 = vector.load %arg9[%swap3A_79, %swap3A_80] : memref<512x1xf32, #tpu.memory_space<vmem>>, vector<512x1xf32>
      tpu.vector_store %arg9[%swap3A_79, %swap3A_80], %sub3A_78 {strides = array<i32>} : memref<512x1xf32, #tpu.memory_space<vmem>>, vector<512x1xf32>,
    } else {
    }
    return
  }
  func.func @transform_0(%arg0: i32, %arg1: i32) -> (i32, i32) {
    %c0_i32 = arith.constant 0 : i32
    return %arg0, %arg1 : i32, i32
  }
  func.func @transform_1(%arg0: i32, %arg1: i32) -> (i32, i32) {
    %c0_i32 = arith.constant 0 : i32
    return %arg1, %arg0 : i32, i32
  }
  func.func @transform_2(%arg0: i32, %arg1: i32) -> (i32, i32) {
    %c0_i32 = arith.constant 0 : i32
    %c0_i32_0 = arith.constant 0 : i32
    return %c0_i32, %arg1 : i32, i32
  }
  func.func @transform_3(%arg0: i32, %arg1: i32) -> (i32, i32) {
    %c0_i32 = arith.constant 0 : i32
    %c0_i32_0 = arith.constant 0 : i32
    return %arg0, %c0_i32 : i32, i32
  }
  func.func @transform_4(%arg0: i32, %arg1: i32) -> (i32, i32) {
    %c0_i32 = arith.constant 0 : i32
    %c0_i32_0 = arith.constant 0 : i32
    return %arg0, %c0_i32 : i32, i32
  }
  func.func @transform_5(%arg0: i32, %arg1: i32) -> (i32, i32) {
    %c0_i32 = arith.constant 0 : i32
    %c0_i32_0 = arith.constant 0 : i32
    return %arg0, %c0_i32 : i32, i32
  }
  func.func @transform_6(%arg0: i32, %arg1: i32) -> (i32, i32) {
    %c0_i32 = arith.constant 0 : i32
    %c0_i32_0 = arith.constant 0 : i32
    return %c0_i32, %arg0 : i32, i32
  }
  func.func @transform_7(%arg0: i32, %arg1: i32) -> (i32, i32) {
    %c0_i32 = arith.constant 0 : i32
    %c0_i32_0 = arith.constant 0 : i32
    return %arg0, %c0_i32 : i32, i32
  }
}

module attributes {stable_mosaic.version = 14 : i64} {
  func.func @_u2_body(%arg0: i32, %arg1: i32, %arg2: memref<512x2048xbf16, #tpu.memory_space<vmem>>, %arg3: memref<1x2048xf32, #tpu.memory_space<vmem>>, %arg4: memref<512x1xf32, #tpu.memory_space<vmem>>, %arg5: memref<512x1xf32, #tpu.memory_space<vmem>>, %arg6: memref<512x1xf32, #tpu.memory_space<vmem>>, %arg7: memref<512x1xf32, #tpu.memory_space<vmem>>, %arg8: memref<512x256xf32, #tpu.memory_space<vmem>>, %arg9: memref<512x1xf32, #tpu.memory_space<vmem>>, %arg10: memref<512x256xf32, #tpu.memory_space<vmem>>) attributes {dimension_semantics = [#tpu.dimension_semantics<arbitrary>, #tpu.dimension_semantics<arbitrary>], iteration_bounds = array<i64: 8, 2>, scalar_prefetch = 0 : i64, scratch_operands = 0 : i64, tpu.core_type = #tpu.core_type<tc>, window_params = [{transform_indices = @transform_0, window_bounds = array<i64: 512, 2048>}, {transform_indices = @transform_1, window_bounds = array<i64: 1, 2048>}, {transform_indices = @transform_2, window_bounds = array<i64: 512, 1>}, {transform_indices = @transform_3, window_bounds = array<i64: 512, 1>}, {transform_indices = @transform_4, window_bounds = array<i64: 512, 1>}, {transform_indices = @transform_5, window_bounds = array<i64: 512, 1>}, {transform_indices = @transform_6, window_bounds = array<i64: 512, 256>}, {transform_indices = @transform_7, window_bounds = array<i64: 512, 1>}, {transform_indices = @transform_8, window_bounds = array<i64: 512, 256>}]} {
    %eq3A = arith.constant 0 : i32
    %eq3A_0 = arith.cmpi eq, %arg1, %eq3A : i32
    %convert_element_type3A = arith.extui %eq3A_0 : i1 to i32
    %cond3A = arith.constant 0 : i32
    %cond3A_1 = arith.cmpi ne, %convert_element_type3A, %cond3A : i32
    scf.if %cond3A_1 {
      %broadcast_in_dim3A_20 = arith.constant 0.000000e+00 : f32
      %broadcast_in_dim3A_21 = vector.broadcast %broadcast_in_dim3A_20 : f32 to vector<512x1xf32>
      %swap3A_22 = arith.constant 0 : index
      %swap3A_23 = arith.constant 0 : index
      %swap3A_24 = vector.load %arg9[%swap3A_22, %swap3A_23] : memref<512x1xf32, #tpu.memory_space<vmem>>, vector<512x1xf32>
      tpu.vector_store %arg9[%swap3A_22, %swap3A_23], %broadcast_in_dim3A_21 {strides = array<i32>} : memref<512x1xf32, #tpu.memory_space<vmem>>, vector<512x1xf32>,
    } else {
    }
    %get3A = arith.constant 0 : index
    %get3A_2 = arith.constant 0 : index
    %get3A_3 = vector.load %arg9[%get3A, %get3A_2] : memref<512x1xf32, #tpu.memory_space<vmem>>, vector<512x1xf32>
    %get3A_4 = arith.constant 0 : index
    %get3A_5 = arith.constant 0 : index
    %get3A_6 = vector.load %arg2[%get3A_4, %get3A_5] : memref<512x2048xbf16, #tpu.memory_space<vmem>>, vector<512x2048xbf16>
    %convert_element_type3A_7 = arith.extf %get3A_6 : vector<512x2048xbf16> to vector<512x2048xf32>
    %get3A_8 = arith.constant 0 : index
    %get3A_9 = arith.constant 0 : index
    %get3A_10 = vector.load %arg3[%get3A_8, %get3A_9] : memref<1x2048xf32, #tpu.memory_space<vmem>>, vector<1x2048xf32>
    %mul3A = vector.broadcast %get3A_10 : vector<1x2048xf32> to vector<512x2048xf32>
    %mul3A_11 = arith.mulf %convert_element_type3A_7, %mul3A : vector<512x2048xf32>
    %reduce_sum3A = arith.constant dense<0.000000e+00> : vector<512xf32>
    %reduce_sum3A_12 = vector.multi_reduction <add>, %mul3A_11, %reduce_sum3A [1] : vector<512x2048xf32> to vector<512xf32>
    %broadcast_in_dim3A = vector.shape_cast %reduce_sum3A_12 : vector<512xf32> to vector<512x1xf32>
    %add3A = arith.addf %get3A_3, %broadcast_in_dim3A : vector<512x1xf32>
    %swap3A = arith.constant 0 : index
    %swap3A_13 = arith.constant 0 : index
    %swap3A_14 = vector.load %arg9[%swap3A, %swap3A_13] : memref<512x1xf32, #tpu.memory_space<vmem>>, vector<512x1xf32>
    tpu.vector_store %arg9[%swap3A, %swap3A_13], %add3A {strides = array<i32>} : memref<512x1xf32, #tpu.memory_space<vmem>>, vector<512x1xf32>,
    %eq3A_15 = arith.constant 1 : i32
    %eq3A_16 = arith.cmpi eq, %arg1, %eq3A_15 : i32
    %convert_element_type3A_17 = arith.extui %eq3A_16 : i1 to i32
    %cond3A_18 = arith.constant 0 : i32
    %cond3A_19 = arith.cmpi ne, %convert_element_type3A_17, %cond3A_18 : i32
    scf.if %cond3A_19 {
      %get3A_20 = arith.constant 0 : index
      %get3A_21 = arith.constant 0 : index
      %get3A_22 = vector.load %arg5[%get3A_20, %get3A_21] : memref<512x1xf32, #tpu.memory_space<vmem>>, vector<512x1xf32>
      %get3A_23 = arith.constant 0 : index
      %get3A_24 = arith.constant 0 : index
      %get3A_25 = vector.load %arg9[%get3A_23, %get3A_24] : memref<512x1xf32, #tpu.memory_space<vmem>>, vector<512x1xf32>
      %sub3A = arith.constant 1.000000e+00 : f32
      %sub3A_26 = vector.broadcast %sub3A : f32 to vector<512x1xf32>
      %sub3A_27 = arith.subf %sub3A_26, %get3A_22 : vector<512x1xf32>
      %get3A_28 = arith.constant 0 : index
      %get3A_29 = arith.constant 0 : index
      %get3A_30 = vector.load %arg4[%get3A_28, %get3A_29] : memref<512x1xf32, #tpu.memory_space<vmem>>, vector<512x1xf32>
      %mul3A_31 = arith.mulf %sub3A_27, %get3A_30 : vector<512x1xf32>
      %add3A_32 = arith.addf %get3A_25, %mul3A_31 : vector<512x1xf32>
      %get3A_33 = arith.constant 0 : index
      %get3A_34 = arith.constant 0 : index
      %get3A_35 = vector.load %arg6[%get3A_33, %get3A_34] : memref<512x1xf32, #tpu.memory_space<vmem>>, vector<512x1xf32>
      %get3A_36 = arith.constant 0 : index
      %get3A_37 = arith.constant 0 : index
      %get3A_38 = vector.load %arg7[%get3A_36, %get3A_37] : memref<512x1xf32, #tpu.memory_space<vmem>>, vector<512x1xf32>
      %sub3A_39 = arith.subf %add3A_32, %get3A_38 : vector<512x1xf32>
      %mul3A_40 = arith.mulf %get3A_35, %sub3A_39 : vector<512x1xf32>
      %add3A_41 = arith.constant 2.000000e+00 : f32
      %add3A_42 = vector.broadcast %add3A_41 : f32 to vector<512x1xf32>
      %add3A_43 = arith.addf %mul3A_40, %add3A_42 : vector<512x1xf32>
      %rsqrt3A = math.rsqrt %add3A_43 : vector<512x1xf32>
      %swap3A_44 = arith.constant 0 : index
      %swap3A_45 = arith.constant 0 : index
      %swap3A_46 = vector.load %arg9[%swap3A_44, %swap3A_45] : memref<512x1xf32, #tpu.memory_space<vmem>>, vector<512x1xf32>
      tpu.vector_store %arg9[%swap3A_44, %swap3A_45], %rsqrt3A {strides = array<i32>} : memref<512x1xf32, #tpu.memory_space<vmem>>, vector<512x1xf32>,
      %get3A_47 = arith.constant 0 : index
      %get3A_48 = arith.constant 0 : index
      %get3A_49 = vector.load %arg8[%get3A_47, %get3A_48] : memref<512x256xf32, #tpu.memory_space<vmem>>, vector<512x256xf32>
      %mul3A_50 = vector.broadcast %rsqrt3A : vector<512x1xf32> to vector<512x256xf32>
      %mul3A_51 = arith.mulf %mul3A_50, %get3A_49 : vector<512x256xf32>
      %swap3A_52 = arith.constant 0 : index
      %swap3A_53 = arith.constant 0 : index
      %swap3A_54 = vector.load %arg10[%swap3A_52, %swap3A_53] : memref<512x256xf32, #tpu.memory_space<vmem>>, vector<512x256xf32>
      tpu.vector_store %arg10[%swap3A_52, %swap3A_53], %mul3A_51 {strides = array<i32>} : memref<512x256xf32, #tpu.memory_space<vmem>>, vector<512x256xf32>,
    } else {
    }
    return
  }
  func.func @transform_0(%arg0: i32, %arg1: i32) -> (i32, i32) {
    %c0_i32 = arith.constant 0 : i32
    return %arg0, %arg1 : i32, i32
  }
  func.func @transform_1(%arg0: i32, %arg1: i32) -> (i32, i32) {
    %c0_i32 = arith.constant 0 : i32
    %c0_i32_0 = arith.constant 0 : i32
    return %c0_i32, %arg1 : i32, i32
  }
  func.func @transform_2(%arg0: i32, %arg1: i32) -> (i32, i32) {
    %c0_i32 = arith.constant 0 : i32
    %c0_i32_0 = arith.constant 0 : i32
    return %arg0, %c0_i32 : i32, i32
  }
  func.func @transform_3(%arg0: i32, %arg1: i32) -> (i32, i32) {
    %c0_i32 = arith.constant 0 : i32
    %c0_i32_0 = arith.constant 0 : i32
    return %arg0, %c0_i32 : i32, i32
  }
  func.func @transform_4(%arg0: i32, %arg1: i32) -> (i32, i32) {
    %c0_i32 = arith.constant 0 : i32
    %c0_i32_0 = arith.constant 0 : i32
    return %arg0, %c0_i32 : i32, i32
  }
  func.func @transform_5(%arg0: i32, %arg1: i32) -> (i32, i32) {
    %c0_i32 = arith.constant 0 : i32
    %c0_i32_0 = arith.constant 0 : i32
    return %arg0, %c0_i32 : i32, i32
  }
  func.func @transform_6(%arg0: i32, %arg1: i32) -> (i32, i32) {
    %c0_i32 = arith.constant 0 : i32
    %c0_i32_0 = arith.constant 0 : i32
    return %arg0, %c0_i32 : i32, i32
  }
  func.func @transform_7(%arg0: i32, %arg1: i32) -> (i32, i32) {
    %c0_i32 = arith.constant 0 : i32
    %c0_i32_0 = arith.constant 0 : i32
    return %arg0, %c0_i32 : i32, i32
  }
  func.func @transform_8(%arg0: i32, %arg1: i32) -> (i32, i32) {
    %c0_i32 = arith.constant 0 : i32
    %c0_i32_0 = arith.constant 0 : i32
    return %arg0, %c0_i32 : i32, i32
  }
}

module attributes {stable_mosaic.version = 14 : i64} {
  func.func @_t1_body(%arg0: i32, %arg1: i32, %arg2: memref<512x2048xbf16, #tpu.memory_space<vmem>>, %arg3: memref<2048x256xf32, #tpu.memory_space<vmem>>, %arg4: memref<512x256xf32, #tpu.memory_space<vmem>>, %arg5: memref<512x1xf32, #tpu.memory_space<vmem>>, %arg6: memref<512x256xf32, #tpu.memory_space<vmem>>) attributes {dimension_semantics = [#tpu.dimension_semantics<arbitrary>, #tpu.dimension_semantics<arbitrary>], iteration_bounds = array<i64: 8, 2>, scalar_prefetch = 0 : i64, scratch_operands = 0 : i64, tpu.core_type = #tpu.core_type<tc>, window_params = [{transform_indices = @transform_0, window_bounds = array<i64: 512, 2048>}, {transform_indices = @transform_1, window_bounds = array<i64: 2048, 256>}, {transform_indices = @transform_2, window_bounds = array<i64: 512, 256>}, {transform_indices = @transform_3, window_bounds = array<i64: 512, 1>}, {transform_indices = @transform_4, window_bounds = array<i64: 512, 256>}]} {
    %eq3A = arith.constant 0 : i32
    %eq3A_0 = arith.cmpi eq, %arg1, %eq3A : i32
    %convert_element_type3A = arith.extui %eq3A_0 : i1 to i32
    %cond3A = arith.constant 0 : i32
    %cond3A_1 = arith.cmpi ne, %convert_element_type3A, %cond3A : i32
    scf.if %cond3A_1 {
      %broadcast_in_dim3A = arith.constant 0.000000e+00 : f32
      %broadcast_in_dim3A_19 = vector.broadcast %broadcast_in_dim3A : f32 to vector<512x256xf32>
      %swap3A_20 = arith.constant 0 : index
      %swap3A_21 = arith.constant 0 : index
      %swap3A_22 = vector.load %arg6[%swap3A_20, %swap3A_21] : memref<512x256xf32, #tpu.memory_space<vmem>>, vector<512x256xf32>
      tpu.vector_store %arg6[%swap3A_20, %swap3A_21], %broadcast_in_dim3A_19 {strides = array<i32>} : memref<512x256xf32, #tpu.memory_space<vmem>>, vector<512x256xf32>,
    } else {
    }
    %get3A = arith.constant 0 : index
    %get3A_2 = arith.constant 0 : index
    %get3A_3 = vector.load %arg6[%get3A, %get3A_2] : memref<512x256xf32, #tpu.memory_space<vmem>>, vector<512x256xf32>
    %get3A_4 = arith.constant 0 : index
    %get3A_5 = arith.constant 0 : index
    %get3A_6 = vector.load %arg2[%get3A_4, %get3A_5] : memref<512x2048xbf16, #tpu.memory_space<vmem>>, vector<512x2048xbf16>
    %convert_element_type3A_7 = arith.extf %get3A_6 : vector<512x2048xbf16> to vector<512x2048xf32>
    %get3A_8 = arith.constant 0 : index
    %get3A_9 = arith.constant 0 : index
    %get3A_10 = vector.load %arg3[%get3A_8, %get3A_9] : memref<2048x256xf32, #tpu.memory_space<vmem>>, vector<2048x256xf32>
    %dot_general3A = arith.constant dense<0.000000e+00> : vector<512x256xf32>
    %dot_general3A_11 = tpu.matmul %convert_element_type3A_7, %get3A_10, %dot_general3A {dimension_numbers = #tpu.dot_dimension_numbers<[1], [0], [0], [1], [0, 0, 1, 1], [], []>, transpose_lhs_hint = false} : vector<512x2048xf32>, vector<2048x256xf32>, vector<512x256xf32> -> vector<512x256xf32>
    %add3A = arith.addf %get3A_3, %dot_general3A_11 : vector<512x256xf32>
    %swap3A = arith.constant 0 : index
    %swap3A_12 = arith.constant 0 : index
    %swap3A_13 = vector.load %arg6[%swap3A, %swap3A_12] : memref<512x256xf32, #tpu.memory_space<vmem>>, vector<512x256xf32>
    tpu.vector_store %arg6[%swap3A, %swap3A_12], %add3A {strides = array<i32>} : memref<512x256xf32, #tpu.memory_space<vmem>>, vector<512x256xf32>,
    %eq3A_14 = arith.constant 1 : i32
    %eq3A_15 = arith.cmpi eq, %arg1, %eq3A_14 : i32
    %convert_element_type3A_16 = arith.extui %eq3A_15 : i1 to i32
    %cond3A_17 = arith.constant 0 : i32
    %cond3A_18 = arith.cmpi ne, %convert_element_type3A_16, %cond3A_17 : i32
    scf.if %cond3A_18 {
      %get3A_19 = arith.constant 0 : index
      %get3A_20 = arith.constant 0 : index
      %get3A_21 = vector.load %arg6[%get3A_19, %get3A_20] : memref<512x256xf32, #tpu.memory_space<vmem>>, vector<512x256xf32>
      %get3A_22 = arith.constant 0 : index
      %get3A_23 = arith.constant 0 : index
      %get3A_24 = vector.load %arg5[%get3A_22, %get3A_23] : memref<512x1xf32, #tpu.memory_space<vmem>>, vector<512x1xf32>
      %sub3A = arith.constant 1.000000e+00 : f32
      %sub3A_25 = vector.broadcast %sub3A : f32 to vector<512x1xf32>
      %sub3A_26 = arith.subf %sub3A_25, %get3A_24 : vector<512x1xf32>
      %get3A_27 = arith.constant 0 : index
      %get3A_28 = arith.constant 0 : index
      %get3A_29 = vector.load %arg4[%get3A_27, %get3A_28] : memref<512x256xf32, #tpu.memory_space<vmem>>, vector<512x256xf32>
      %mul3A = vector.broadcast %sub3A_26 : vector<512x1xf32> to vector<512x256xf32>
      %mul3A_30 = arith.mulf %mul3A, %get3A_29 : vector<512x256xf32>
      %add3A_31 = arith.addf %get3A_21, %mul3A_30 : vector<512x256xf32>
      %swap3A_32 = arith.constant 0 : index
      %swap3A_33 = arith.constant 0 : index
      %swap3A_34 = vector.load %arg6[%swap3A_32, %swap3A_33] : memref<512x256xf32, #tpu.memory_space<vmem>>, vector<512x256xf32>
      tpu.vector_store %arg6[%swap3A_32, %swap3A_33], %add3A_31 {strides = array<i32>} : memref<512x256xf32, #tpu.memory_space<vmem>>, vector<512x256xf32>,
    } else {
    }
    return
  }
  func.func @transform_0(%arg0: i32, %arg1: i32) -> (i32, i32) {
    %c0_i32 = arith.constant 0 : i32
    return %arg0, %arg1 : i32, i32
  }
  func.func @transform_1(%arg0: i32, %arg1: i32) -> (i32, i32) {
    %c0_i32 = arith.constant 0 : i32
    %c0_i32_0 = arith.constant 0 : i32
    return %arg1, %c0_i32 : i32, i32
  }
  func.func @transform_2(%arg0: i32, %arg1: i32) -> (i32, i32) {
    %c0_i32 = arith.constant 0 : i32
    %c0_i32_0 = arith.constant 0 : i32
    return %arg0, %c0_i32 : i32, i32
  }
  func.func @transform_3(%arg0: i32, %arg1: i32) -> (i32, i32) {
    %c0_i32 = arith.constant 0 : i32
    %c0_i32_0 = arith.constant 0 : i32
    return %arg0, %c0_i32 : i32, i32
  }
  func.func @transform_4(%arg0: i32, %arg1: i32) -> (i32, i32) {
    %c0_i32 = arith.constant 0 : i32
    %c0_i32_0 = arith.constant 0 : i32
    return %arg0, %c0_i32 : i32, i32
  }
}

module attributes {stable_mosaic.version = 14 : i64} {
  func.func @_t2_body(%arg0: i32, %arg1: i32, %arg2: memref<512x2048xbf16, #tpu.memory_space<vmem>>, %arg3: memref<2048x256xf32, #tpu.memory_space<vmem>>, %arg4: memref<512x256xf32, #tpu.memory_space<vmem>>, %arg5: memref<512x1xf32, #tpu.memory_space<vmem>>, %arg6: memref<512x1xf32, #tpu.memory_space<vmem>>, %arg7: memref<512x1xf32, #tpu.memory_space<vmem>>, %arg8: memref<512x256xf32, #tpu.memory_space<vmem>>, %arg9: memref<512x1xf32, #tpu.memory_space<vmem>>, %arg10: memref<512x256xf32, #tpu.memory_space<vmem>>, %arg11: memref<1x256xf32, #tpu.memory_space<vmem>>, %arg12: memref<512x256xf32, #tpu.memory_space<vmem>>) attributes {dimension_semantics = [#tpu.dimension_semantics<arbitrary>, #tpu.dimension_semantics<arbitrary>], iteration_bounds = array<i64: 8, 2>, scalar_prefetch = 0 : i64, scratch_operands = 0 : i64, tpu.core_type = #tpu.core_type<tc>, window_params = [{transform_indices = @transform_0, window_bounds = array<i64: 512, 2048>}, {transform_indices = @transform_1, window_bounds = array<i64: 2048, 256>}, {transform_indices = @transform_2, window_bounds = array<i64: 512, 256>}, {transform_indices = @transform_3, window_bounds = array<i64: 512, 1>}, {transform_indices = @transform_4, window_bounds = array<i64: 512, 1>}, {transform_indices = @transform_5, window_bounds = array<i64: 512, 1>}, {transform_indices = @transform_6, window_bounds = array<i64: 512, 256>}, {transform_indices = @transform_7, window_bounds = array<i64: 512, 1>}, {transform_indices = @transform_8, window_bounds = array<i64: 512, 256>}, {pipeline_mode = #tpu.pipeline_mode<synchronous>, transform_indices = @transform_9, window_bounds = array<i64: 1, 256>}, {transform_indices = @transform_10, window_bounds = array<i64: 512, 256>}]} {
    %eq3A = arith.constant 0 : i32
    %eq3A_0 = arith.cmpi eq, %arg1, %eq3A : i32
    %convert_element_type3A = arith.extui %eq3A_0 : i1 to i32
    %cond3A = arith.constant 0 : i32
    %cond3A_1 = arith.cmpi ne, %convert_element_type3A, %cond3A : i32
    scf.if %cond3A_1 {
      %broadcast_in_dim3A = arith.constant 0.000000e+00 : f32
      %broadcast_in_dim3A_19 = vector.broadcast %broadcast_in_dim3A : f32 to vector<512x256xf32>
      %swap3A_20 = arith.constant 0 : index
      %swap3A_21 = arith.constant 0 : index
      %swap3A_22 = vector.load %arg12[%swap3A_20, %swap3A_21] : memref<512x256xf32, #tpu.memory_space<vmem>>, vector<512x256xf32>
      tpu.vector_store %arg12[%swap3A_20, %swap3A_21], %broadcast_in_dim3A_19 {strides = array<i32>} : memref<512x256xf32, #tpu.memory_space<vmem>>, vector<512x256xf32>,
    } else {
    }
    %get3A = arith.constant 0 : index
    %get3A_2 = arith.constant 0 : index
    %get3A_3 = vector.load %arg12[%get3A, %get3A_2] : memref<512x256xf32, #tpu.memory_space<vmem>>, vector<512x256xf32>
    %get3A_4 = arith.constant 0 : index
    %get3A_5 = arith.constant 0 : index
    %get3A_6 = vector.load %arg2[%get3A_4, %get3A_5] : memref<512x2048xbf16, #tpu.memory_space<vmem>>, vector<512x2048xbf16>
    %convert_element_type3A_7 = arith.extf %get3A_6 : vector<512x2048xbf16> to vector<512x2048xf32>
    %get3A_8 = arith.constant 0 : index
    %get3A_9 = arith.constant 0 : index
    %get3A_10 = vector.load %arg3[%get3A_8, %get3A_9] : memref<2048x256xf32, #tpu.memory_space<vmem>>, vector<2048x256xf32>
    %dot_general3A = arith.constant dense<0.000000e+00> : vector<512x256xf32>
    %dot_general3A_11 = tpu.matmul %convert_element_type3A_7, %get3A_10, %dot_general3A {dimension_numbers = #tpu.dot_dimension_numbers<[1], [0], [0], [1], [0, 0, 1, 1], [], []>, transpose_lhs_hint = false} : vector<512x2048xf32>, vector<2048x256xf32>, vector<512x256xf32> -> vector<512x256xf32>
    %add3A = arith.addf %get3A_3, %dot_general3A_11 : vector<512x256xf32>
    %swap3A = arith.constant 0 : index
    %swap3A_12 = arith.constant 0 : index
    %swap3A_13 = vector.load %arg12[%swap3A, %swap3A_12] : memref<512x256xf32, #tpu.memory_space<vmem>>, vector<512x256xf32>
    tpu.vector_store %arg12[%swap3A, %swap3A_12], %add3A {strides = array<i32>} : memref<512x256xf32, #tpu.memory_space<vmem>>, vector<512x256xf32>,
    %eq3A_14 = arith.constant 1 : i32
    %eq3A_15 = arith.cmpi eq, %arg1, %eq3A_14 : i32
    %convert_element_type3A_16 = arith.extui %eq3A_15 : i1 to i32
    %cond3A_17 = arith.constant 0 : i32
    %cond3A_18 = arith.cmpi ne, %convert_element_type3A_16, %cond3A_17 : i32
    scf.if %cond3A_18 {
      %get3A_19 = arith.constant 0 : index
      %get3A_20 = arith.constant 0 : index
      %get3A_21 = vector.load %arg8[%get3A_19, %get3A_20] : memref<512x256xf32, #tpu.memory_space<vmem>>, vector<512x256xf32>
      %get3A_22 = arith.constant 0 : index
      %get3A_23 = arith.constant 0 : index
      %get3A_24 = vector.load %arg12[%get3A_22, %get3A_23] : memref<512x256xf32, #tpu.memory_space<vmem>>, vector<512x256xf32>
      %get3A_25 = arith.constant 0 : index
      %get3A_26 = arith.constant 0 : index
      %get3A_27 = vector.load %arg5[%get3A_25, %get3A_26] : memref<512x1xf32, #tpu.memory_space<vmem>>, vector<512x1xf32>
      %sub3A = arith.constant 1.000000e+00 : f32
      %sub3A_28 = vector.broadcast %sub3A : f32 to vector<512x1xf32>
      %sub3A_29 = arith.subf %sub3A_28, %get3A_27 : vector<512x1xf32>
      %get3A_30 = arith.constant 0 : index
      %get3A_31 = arith.constant 0 : index
      %get3A_32 = vector.load %arg4[%get3A_30, %get3A_31] : memref<512x256xf32, #tpu.memory_space<vmem>>, vector<512x256xf32>
      %mul3A = vector.broadcast %sub3A_29 : vector<512x1xf32> to vector<512x256xf32>
      %mul3A_33 = arith.mulf %mul3A, %get3A_32 : vector<512x256xf32>
      %add3A_34 = arith.addf %get3A_24, %mul3A_33 : vector<512x256xf32>
      %get3A_35 = arith.constant 0 : index
      %get3A_36 = arith.constant 0 : index
      %get3A_37 = vector.load %arg6[%get3A_35, %get3A_36] : memref<512x1xf32, #tpu.memory_space<vmem>>, vector<512x1xf32>
      %get3A_38 = arith.constant 0 : index
      %get3A_39 = arith.constant 0 : index
      %get3A_40 = vector.load %arg7[%get3A_38, %get3A_39] : memref<512x1xf32, #tpu.memory_space<vmem>>, vector<512x1xf32>
      %mul3A_41 = vector.broadcast %get3A_40 : vector<512x1xf32> to vector<512x256xf32>
      %mul3A_42 = arith.mulf %mul3A_41, %get3A_21 : vector<512x256xf32>
      %sub3A_43 = arith.subf %add3A_34, %mul3A_42 : vector<512x256xf32>
      %mul3A_44 = arith.constant 2.000000e+00 : f32
      %mul3A_45 = vector.broadcast %mul3A_44 : f32 to vector<512x256xf32>
      %mul3A_46 = arith.mulf %mul3A_45, %get3A_21 : vector<512x256xf32>
      %add3A_47 = arith.addf %sub3A_43, %mul3A_46 : vector<512x256xf32>
      %mul3A_48 = vector.broadcast %get3A_37 : vector<512x1xf32> to vector<512x256xf32>
      %mul3A_49 = arith.mulf %mul3A_48, %add3A_47 : vector<512x256xf32>
      %get3A_50 = arith.constant 0 : index
      %get3A_51 = arith.constant 0 : index
      %get3A_52 = vector.load %arg11[%get3A_50, %get3A_51] : memref<1x256xf32, #tpu.memory_space<vmem>>, vector<1x256xf32>
      %add3A_53 = vector.broadcast %get3A_52 : vector<1x256xf32> to vector<512x256xf32>
      %add3A_54 = arith.addf %mul3A_49, %add3A_53 : vector<512x256xf32>
      %get3A_55 = arith.constant 0 : index
      %get3A_56 = arith.constant 0 : index
      %get3A_57 = vector.load %arg10[%get3A_55, %get3A_56] : memref<512x256xf32, #tpu.memory_space<vmem>>, vector<512x256xf32>
      %get3A_58 = arith.constant 0 : index
      %get3A_59 = arith.constant 0 : index
      %get3A_60 = vector.load %arg9[%get3A_58, %get3A_59] : memref<512x1xf32, #tpu.memory_space<vmem>>, vector<512x1xf32>
      %max3A = arith.constant 0.000000e+00 : f32
      %max3A_61 = vector.broadcast %max3A : f32 to vector<512x256xf32>
      %max3A_62 = arith.maximumf %add3A_54, %max3A_61 : vector<512x256xf32>
      %mul3A_63 = vector.broadcast %get3A_60 : vector<512x1xf32> to vector<512x256xf32>
      %mul3A_64 = arith.mulf %mul3A_63, %max3A_62 : vector<512x256xf32>
      %add3A_65 = arith.addf %get3A_57, %mul3A_64 : vector<512x256xf32>
      %swap3A_66 = arith.constant 0 : index
      %swap3A_67 = arith.constant 0 : index
      %swap3A_68 = vector.load %arg12[%swap3A_66, %swap3A_67] : memref<512x256xf32, #tpu.memory_space<vmem>>, vector<512x256xf32>
      tpu.vector_store %arg12[%swap3A_66, %swap3A_67], %add3A_65 {strides = array<i32>} : memref<512x256xf32, #tpu.memory_space<vmem>>, vector<512x256xf32>,
    } else {
    }
    return
  }
  func.func @transform_0(%arg0: i32, %arg1: i32) -> (i32, i32) {
    %c0_i32 = arith.constant 0 : i32
    return %arg0, %arg1 : i32, i32
  }
  func.func @transform_1(%arg0: i32, %arg1: i32) -> (i32, i32) {
    %c0_i32 = arith.constant 0 : i32
    %c0_i32_0 = arith.constant 0 : i32
    return %arg1, %c0_i32 : i32, i32
  }
  func.func @transform_2(%arg0: i32, %arg1: i32) -> (i32, i32) {
    %c0_i32 = arith.constant 0 : i32
    %c0_i32_0 = arith.constant 0 : i32
    return %arg0, %c0_i32 : i32, i32
  }
  func.func @transform_3(%arg0: i32, %arg1: i32) -> (i32, i32) {
    %c0_i32 = arith.constant 0 : i32
    %c0_i32_0 = arith.constant 0 : i32
    return %arg0, %c0_i32 : i32, i32
  }
  func.func @transform_4(%arg0: i32, %arg1: i32) -> (i32, i32) {
    %c0_i32 = arith.constant 0 : i32
    %c0_i32_0 = arith.constant 0 : i32
    return %arg0, %c0_i32 : i32, i32
  }
  func.func @transform_5(%arg0: i32, %arg1: i32) -> (i32, i32) {
    %c0_i32 = arith.constant 0 : i32
    %c0_i32_0 = arith.constant 0 : i32
    return %arg0, %c0_i32 : i32, i32
  }
  func.func @transform_6(%arg0: i32, %arg1: i32) -> (i32, i32) {
    %c0_i32 = arith.constant 0 : i32
    %c0_i32_0 = arith.constant 0 : i32
    return %arg0, %c0_i32 : i32, i32
  }
  func.func @transform_7(%arg0: i32, %arg1: i32) -> (i32, i32) {
    %c0_i32 = arith.constant 0 : i32
    %c0_i32_0 = arith.constant 0 : i32
    return %arg0, %c0_i32 : i32, i32
  }
  func.func @transform_8(%arg0: i32, %arg1: i32) -> (i32, i32) {
    %c0_i32 = arith.constant 0 : i32
    %c0_i32_0 = arith.constant 0 : i32
    return %arg0, %c0_i32 : i32, i32
  }
  func.func @transform_9(%arg0: i32, %arg1: i32) -> (i32, i32) {
    %c0_i32 = arith.constant 0 : i32
    %c0_i32_0 = arith.constant 0 : i32
    %c0_i32_1 = arith.constant 0 : i32
    return %c0_i32, %c0_i32_0 : i32, i32
  }
  func.func @transform_10(%arg0: i32, %arg1: i32) -> (i32, i32) {
    %c0_i32 = arith.constant 0 : i32
    %c0_i32_0 = arith.constant 0 : i32
    return %arg0, %c0_i32 : i32, i32
  }
}

module attributes {stable_mosaic.version = 14 : i64} {
  func.func @_mm2_body(%arg0: i32, %arg1: memref<512x256xf32, #tpu.memory_space<vmem>>, %arg2: memref<256x64xf32, #tpu.memory_space<vmem>>, %arg3: memref<512x1xf32, #tpu.memory_space<vmem>>, %arg4: memref<512x64xf32, #tpu.memory_space<vmem>>, %arg5: memref<512x64xf32, #tpu.memory_space<vmem>>) attributes {dimension_semantics = [#tpu.dimension_semantics<arbitrary>], iteration_bounds = array<i64: 8>, scalar_prefetch = 0 : i64, scratch_operands = 0 : i64, tpu.core_type = #tpu.core_type<tc>, window_params = [{transform_indices = @transform_0, window_bounds = array<i64: 512, 256>}, {pipeline_mode = #tpu.pipeline_mode<synchronous>, transform_indices = @transform_1, window_bounds = array<i64: 256, 64>}, {transform_indices = @transform_2, window_bounds = array<i64: 512, 1>}, {transform_indices = @transform_3, window_bounds = array<i64: 512, 64>}, {transform_indices = @transform_4, window_bounds = array<i64: 512, 64>}]} {
    %get3A = arith.constant 0 : index
    %get3A_0 = arith.constant 0 : index
    %get3A_1 = vector.load %arg1[%get3A, %get3A_0] : memref<512x256xf32, #tpu.memory_space<vmem>>, vector<512x256xf32>
    %get3A_2 = arith.constant 0 : index
    %get3A_3 = arith.constant 0 : index
    %get3A_4 = vector.load %arg2[%get3A_2, %get3A_3] : memref<256x64xf32, #tpu.memory_space<vmem>>, vector<256x64xf32>
    %dot_general3A = arith.constant dense<0.000000e+00> : vector<512x64xf32>
    %dot_general3A_5 = tpu.matmul %get3A_1, %get3A_4, %dot_general3A {dimension_numbers = #tpu.dot_dimension_numbers<[1], [0], [0], [1], [0, 0, 1, 1], [], []>, transpose_lhs_hint = false} : vector<512x256xf32>, vector<256x64xf32>, vector<512x64xf32> -> vector<512x64xf32>
    %swap3A = arith.constant 0 : index
    %swap3A_6 = arith.constant 0 : index
    %swap3A_7 = vector.load %arg4[%swap3A, %swap3A_6] : memref<512x64xf32, #tpu.memory_space<vmem>>, vector<512x64xf32>
    tpu.vector_store %arg4[%swap3A, %swap3A_6], %dot_general3A_5 {strides = array<i32>} : memref<512x64xf32, #tpu.memory_space<vmem>>, vector<512x64xf32>,
    %get3A_8 = arith.constant 0 : index
    %get3A_9 = arith.constant 0 : index
    %get3A_10 = vector.load %arg3[%get3A_8, %get3A_9] : memref<512x1xf32, #tpu.memory_space<vmem>>, vector<512x1xf32>
    %mul3A = vector.broadcast %get3A_10 : vector<512x1xf32> to vector<512x64xf32>
    %mul3A_11 = arith.mulf %mul3A, %dot_general3A_5 : vector<512x64xf32>
    %swap3A_12 = arith.constant 0 : index
    %swap3A_13 = arith.constant 0 : index
    %swap3A_14 = vector.load %arg5[%swap3A_12, %swap3A_13] : memref<512x64xf32, #tpu.memory_space<vmem>>, vector<512x64xf32>
    tpu.vector_store %arg5[%swap3A_12, %swap3A_13], %mul3A_11 {strides = array<i32>} : memref<512x64xf32, #tpu.memory_space<vmem>>, vector<512x64xf32>,
    return
  }
  func.func @transform_0(%arg0: i32) -> (i32, i32) {
    %c0_i32 = arith.constant 0 : i32
    %c0_i32_0 = arith.constant 0 : i32
    return %arg0, %c0_i32 : i32, i32
  }
  func.func @transform_1(%arg0: i32) -> (i32, i32) {
    %c0_i32 = arith.constant 0 : i32
    %c0_i32_0 = arith.constant 0 : i32
    %c0_i32_1 = arith.constant 0 : i32
    return %c0_i32, %c0_i32_0 : i32, i32
  }
  func.func @transform_2(%arg0: i32) -> (i32, i32) {
    %c0_i32 = arith.constant 0 : i32
    %c0_i32_0 = arith.constant 0 : i32
    return %arg0, %c0_i32 : i32, i32
  }
  func.func @transform_3(%arg0: i32) -> (i32, i32) {
    %c0_i32 = arith.constant 0 : i32
    %c0_i32_0 = arith.constant 0 : i32
    return %arg0, %c0_i32 : i32, i32
  }
  func.func @transform_4(%arg0: i32) -> (i32, i32) {
    %c0_i32 = arith.constant 0 : i32
    %c0_i32_0 = arith.constant 0 : i32
    return %arg0, %c0_i32 : i32, i32
  }
}

module attributes {stable_mosaic.version = 14 : i64} {
  func.func @_conv3_body(%arg0: i32, %arg1: i32, %arg2: memref<512x2048xbf16, #tpu.memory_space<vmem>>, %arg3: memref<2048x64xf32, #tpu.memory_space<vmem>>, %arg4: memref<512x1xf32, #tpu.memory_space<vmem>>, %arg5: memref<512x64xf32, #tpu.memory_space<vmem>>, %arg6: memref<1x64xf32, #tpu.memory_space<vmem>>, %arg7: memref<512x64xf32, #tpu.memory_space<vmem>>) attributes {dimension_semantics = [#tpu.dimension_semantics<arbitrary>, #tpu.dimension_semantics<arbitrary>], iteration_bounds = array<i64: 8, 2>, scalar_prefetch = 0 : i64, scratch_operands = 0 : i64, tpu.core_type = #tpu.core_type<tc>, window_params = [{transform_indices = @transform_0, window_bounds = array<i64: 512, 2048>}, {transform_indices = @transform_1, window_bounds = array<i64: 2048, 64>}, {transform_indices = @transform_2, window_bounds = array<i64: 512, 1>}, {transform_indices = @transform_3, window_bounds = array<i64: 512, 64>}, {pipeline_mode = #tpu.pipeline_mode<synchronous>, transform_indices = @transform_4, window_bounds = array<i64: 1, 64>}, {transform_indices = @transform_5, window_bounds = array<i64: 512, 64>}]} {
    %eq3A = arith.constant 0 : i32
    %eq3A_0 = arith.cmpi eq, %arg1, %eq3A : i32
    %convert_element_type3A = arith.extui %eq3A_0 : i1 to i32
    %cond3A = arith.constant 0 : i32
    %cond3A_1 = arith.cmpi ne, %convert_element_type3A, %cond3A : i32
    scf.if %cond3A_1 {
      %broadcast_in_dim3A = arith.constant 0.000000e+00 : f32
      %broadcast_in_dim3A_19 = vector.broadcast %broadcast_in_dim3A : f32 to vector<512x64xf32>
      %swap3A_20 = arith.constant 0 : index
      %swap3A_21 = arith.constant 0 : index
      %swap3A_22 = vector.load %arg7[%swap3A_20, %swap3A_21] : memref<512x64xf32, #tpu.memory_space<vmem>>, vector<512x64xf32>
      tpu.vector_store %arg7[%swap3A_20, %swap3A_21], %broadcast_in_dim3A_19 {strides = array<i32>} : memref<512x64xf32, #tpu.memory_space<vmem>>, vector<512x64xf32>,
    } else {
    }
    %get3A = arith.constant 0 : index
    %get3A_2 = arith.constant 0 : index
    %get3A_3 = vector.load %arg7[%get3A, %get3A_2] : memref<512x64xf32, #tpu.memory_space<vmem>>, vector<512x64xf32>
    %get3A_4 = arith.constant 0 : index
    %get3A_5 = arith.constant 0 : index
    %get3A_6 = vector.load %arg2[%get3A_4, %get3A_5] : memref<512x2048xbf16, #tpu.memory_space<vmem>>, vector<512x2048xbf16>
    %convert_element_type3A_7 = arith.extf %get3A_6 : vector<512x2048xbf16> to vector<512x2048xf32>
    %get3A_8 = arith.constant 0 : index
    %get3A_9 = arith.constant 0 : index
    %get3A_10 = vector.load %arg3[%get3A_8, %get3A_9] : memref<2048x64xf32, #tpu.memory_space<vmem>>, vector<2048x64xf32>
    %dot_general3A = arith.constant dense<0.000000e+00> : vector<512x64xf32>
    %dot_general3A_11 = tpu.matmul %convert_element_type3A_7, %get3A_10, %dot_general3A {dimension_numbers = #tpu.dot_dimension_numbers<[1], [0], [0], [1], [0, 0, 1, 1], [], []>, transpose_lhs_hint = false} : vector<512x2048xf32>, vector<2048x64xf32>, vector<512x64xf32> -> vector<512x64xf32>
    %add3A = arith.addf %get3A_3, %dot_general3A_11 : vector<512x64xf32>
    %swap3A = arith.constant 0 : index
    %swap3A_12 = arith.constant 0 : index
    %swap3A_13 = vector.load %arg7[%swap3A, %swap3A_12] : memref<512x64xf32, #tpu.memory_space<vmem>>, vector<512x64xf32>
    tpu.vector_store %arg7[%swap3A, %swap3A_12], %add3A {strides = array<i32>} : memref<512x64xf32, #tpu.memory_space<vmem>>, vector<512x64xf32>,
    %eq3A_14 = arith.constant 1 : i32
    %eq3A_15 = arith.cmpi eq, %arg1, %eq3A_14 : i32
    %convert_element_type3A_16 = arith.extui %eq3A_15 : i1 to i32
    %cond3A_17 = arith.constant 0 : i32
    %cond3A_18 = arith.cmpi ne, %convert_element_type3A_16, %cond3A_17 : i32
    scf.if %cond3A_18 {
      %get3A_19 = arith.constant 0 : index
      %get3A_20 = arith.constant 0 : index
      %get3A_21 = vector.load %arg4[%get3A_19, %get3A_20] : memref<512x1xf32, #tpu.memory_space<vmem>>, vector<512x1xf32>
      %get3A_22 = arith.constant 0 : index
      %get3A_23 = arith.constant 0 : index
      %get3A_24 = vector.load %arg7[%get3A_22, %get3A_23] : memref<512x64xf32, #tpu.memory_space<vmem>>, vector<512x64xf32>
      %mul3A = vector.broadcast %get3A_21 : vector<512x1xf32> to vector<512x64xf32>
      %mul3A_25 = arith.mulf %mul3A, %get3A_24 : vector<512x64xf32>
      %mul3A_26 = arith.constant 2.000000e+00 : f32
      %mul3A_27 = vector.broadcast %mul3A_26 : f32 to vector<512x1xf32>
      %mul3A_28 = arith.mulf %mul3A_27, %get3A_21 : vector<512x1xf32>
      %mul3A_29 = arith.mulf %mul3A_28, %get3A_21 : vector<512x1xf32>
      %get3A_30 = arith.constant 0 : index
      %get3A_31 = arith.constant 0 : index
      %get3A_32 = vector.load %arg5[%get3A_30, %get3A_31] : memref<512x64xf32, #tpu.memory_space<vmem>>, vector<512x64xf32>
      %mul3A_33 = vector.broadcast %mul3A_29 : vector<512x1xf32> to vector<512x64xf32>
      %mul3A_34 = arith.mulf %mul3A_33, %get3A_32 : vector<512x64xf32>
      %add3A_35 = arith.addf %mul3A_25, %mul3A_34 : vector<512x64xf32>
      %get3A_36 = arith.constant 0 : index
      %get3A_37 = arith.constant 0 : index
      %get3A_38 = vector.load %arg6[%get3A_36, %get3A_37] : memref<1x64xf32, #tpu.memory_space<vmem>>, vector<1x64xf32>
      %add3A_39 = vector.broadcast %get3A_38 : vector<1x64xf32> to vector<512x64xf32>
      %add3A_40 = arith.addf %add3A_35, %add3A_39 : vector<512x64xf32>
      %reduce_max3A = arith.constant dense<0xFF800000> : vector<512xf32>
      %reduce_max3A_41 = vector.multi_reduction <maximumf>, %add3A_40, %reduce_max3A [1] : vector<512x64xf32> to vector<512xf32>
      %broadcast_in_dim3A = vector.shape_cast %reduce_max3A_41 : vector<512xf32> to vector<512x1xf32>
      %sub3A = vector.broadcast %broadcast_in_dim3A : vector<512x1xf32> to vector<512x64xf32>
      %sub3A_42 = arith.subf %add3A_40, %sub3A : vector<512x64xf32>
      %sub3A_43 = vector.broadcast %broadcast_in_dim3A : vector<512x1xf32> to vector<512x64xf32>
      %sub3A_44 = arith.subf %add3A_40, %sub3A_43 : vector<512x64xf32>
      %exp3A = math.exp %sub3A_44 : vector<512x64xf32>
      %reduce_sum3A = arith.constant dense<0.000000e+00> : vector<512xf32>
      %reduce_sum3A_45 = vector.multi_reduction <add>, %exp3A, %reduce_sum3A [1] : vector<512x64xf32> to vector<512xf32>
      %broadcast_in_dim3A_46 = vector.shape_cast %reduce_sum3A_45 : vector<512xf32> to vector<512x1xf32>
      %log3A = math.log %broadcast_in_dim3A_46 : vector<512x1xf32>
      %sub3A_47 = vector.broadcast %log3A : vector<512x1xf32> to vector<512x64xf32>
      %sub3A_48 = arith.subf %sub3A_42, %sub3A_47 : vector<512x64xf32>
      %swap3A_49 = arith.constant 0 : index
      %swap3A_50 = arith.constant 0 : index
      %swap3A_51 = vector.load %arg7[%swap3A_49, %swap3A_50] : memref<512x64xf32, #tpu.memory_space<vmem>>, vector<512x64xf32>
      tpu.vector_store %arg7[%swap3A_49, %swap3A_50], %sub3A_48 {strides = array<i32>} : memref<512x64xf32, #tpu.memory_space<vmem>>, vector<512x64xf32>,
    } else {
    }
    return
  }
  func.func @transform_0(%arg0: i32, %arg1: i32) -> (i32, i32) {
    %c0_i32 = arith.constant 0 : i32
    return %arg0, %arg1 : i32, i32
  }
  func.func @transform_1(%arg0: i32, %arg1: i32) -> (i32, i32) {
    %c0_i32 = arith.constant 0 : i32
    %c0_i32_0 = arith.constant 0 : i32
    return %arg1, %c0_i32 : i32, i32
  }
  func.func @transform_2(%arg0: i32, %arg1: i32) -> (i32, i32) {
    %c0_i32 = arith.constant 0 : i32
    %c0_i32_0 = arith.constant 0 : i32
    return %arg0, %c0_i32 : i32, i32
  }
  func.func @transform_3(%arg0: i32, %arg1: i32) -> (i32, i32) {
    %c0_i32 = arith.constant 0 : i32
    %c0_i32_0 = arith.constant 0 : i32
    return %arg0, %c0_i32 : i32, i32
  }
  func.func @transform_4(%arg0: i32, %arg1: i32) -> (i32, i32) {
    %c0_i32 = arith.constant 0 : i32
    %c0_i32_0 = arith.constant 0 : i32
    %c0_i32_1 = arith.constant 0 : i32
    return %c0_i32, %c0_i32_0 : i32, i32
  }
  func.func @transform_5(%arg0: i32, %arg1: i32) -> (i32, i32) {
    %c0_i32 = arith.constant 0 : i32
    %c0_i32_0 = arith.constant 0 : i32
    return %arg0, %c0_i32 : i32, i32
  }
}

</mosaic_0001>

<sc_bundles>
// kernel: kernel.13.cloned.1.call-start
scs
__scs_entry_jumppad:
0x0: {  	(pc) =	sbr.rel $0x88, $3  }
0x1: {  	(tag) =	ssettag $0x0;
	lr =	simm.s32 $0x1  }
0x2: {  	[smem:$0x3F98] =	sst lr;
	_ =	strace $0xD0000000  }
0x3: {  	_ = 	snop  }
0x4: {  	_ = 	snop  }
0x5: {  	_ = 	snop  }
0x6: {  	_ = 	snop  }
0x7: {  	_ = 	snop  }
__scs_overlays_trampoline_lowered:
0x8: {  	[smem:$0x3FA7] =	sst s0  }
0x9: {  	[smem:$0x3FA8] =	sst s1  }
0xa: {  	[smem:$0x3FA9] =	sst s2  }
0xb: {  	[smem:$0x3FAA] =	sst s3  }
0xc: {  	[smem:$0x3FAB] =	sst s4  }
0xd: {  	[smem:$0x3FAC] =	sst s5  }
0xe: {  	[smem:$0x3FAD] =	sst s6  }
0xf: {  	[smem:$0x3FAE] =	sst s7  }
0x10: {  	[smem:$0x3FAF] =	sst s8  }
0x11: {  	[smem:$0x3FB0] =	sst s9;
	s0 =	simm.s32 @!p0 $0x0  }
0x12: {  	s1 =	sld [smem:$0x3F96];
	s0 =	simm.s32 @p0 $0x1  }
0x13: {  	[smem:$0x3FB1] =	sst s0;
	s0 =	simm.s32 @!p1 $0x0  }
0x14: {  	s2 =	sld [smem:$0x3F95];
	s0 =	simm.s32 @p1 $0x1  }
0x15: {  	[smem:$0x3FB2] =	sst s0;
	s0 =	simm.s32 @!p2 $0x0  }
0x16: {  	s3 =	sld [smem:$0x3FDB];
	s0 =	simm.s32 @p2 $0x1  }
0x17: {  	s4 =	simm.s32 $0x1BF5;
	[smem:$0x3FB4] =	sst s0  }
0x18: {  	s0 =	sld [smem:$0x3F97];
	_ =	swait.ge [sflag:s4], $0x0  }
0x19: {  	s7 =	sld [smem:$0x3F98]  }
0x1a: {  	s8 =	sadd.s32 $0xFFFFE003, lr  }
0x1b: {  	s9 =	sadd.s32 $0xFFFFFEF7, lr;
	s5 =	simm.s32 $0xFFFFFFFF;
	p2 =	slt.u32 s8, $0xFFFFF086  }
0x1c: {  	p1 =	slt.u32 s9, $0xF7A;
	s5 =	simm.s32 @!p2 $0x0  }
0x1d: {  	s5 =	simm.s32 @p1 $0x1;
	p0 =	seq.s32 s7, s2  }
0x1e: {  	s7 =	smul.u32 @!p0 $0xF7A, s2;
	p2 =	seq.s32 @!p0 s5, $0x0  }
0x1f: {  	s9 =	smul.u32 $0xF7A, s1;
	s8 =	simm.s32 @!p0 $0x1BF5;
	p2 =	por !p2, p0  }
0x20: {  	[sflag:s8] =	ssyncset.s32 @!p0 $0xFFFFF086;
	s6 =	sadd.s32 @!p0 s3, s7;
	s7 =	simm.s32 @!p0 $0x108  }
0x21: {  	s3 =	sadd.s32 s3, s9;
	s6 =	sadd.s32 @!p0 $0x88, s6;
	s7 =	simm.s32 @p2 $0x1082  }
0x22: {  	[simem:s7], [sflag:s8] =	dma.local @!p0 [hbm:s6], $0xF7A  }
0x23: {  	s9 =	sor.u32 $0xD0000000, s2;
	s6 =	simm.s32 $0x108;
	_ =	swait.ge @!p0 [sflag:s8], $0x0  }
0x24: {  	s3 =	sadd.s32 $0x88, s3;
	s6 =	simm.s32 @!p1 $0x1082;
	[sflag:s4] =	ssyncset.s32 $0xFFFFF086  }
0x25: {  	[simem:s6], [sflag:s4] =	dma.local [hbm:s3], $0xF7A  }
0x26: {  	[smem:$0x3F98] =	sst s1;
	(tag) =	ssettag s2;
	_ =	strace s9  }
0x27: {  	s1 =	sld [smem:$0x3FA8]  }
0x28: {  	s2 =	sld [smem:$0x3FA9]  }
0x29: {  	s4 =	sld [smem:$0x3FAB]  }
0x2a: {  	p0 =	seq.s32 s5, $0x0;
	s5 =	sld [smem:$0x3FAC]  }
0x2b: {  	s6 =	sld [smem:$0x3FAD]  }
0x2c: {  	s7 =	sld [smem:$0x3FAE]  }
0x2d: {  	s3 =	simm.s32 $0x108;
	s8 =	sld [smem:$0x3FAF]  }
0x2e: {  	s3 =	simm.s32 @!p0 $0x1082;
	s9 =	sld [smem:$0x3FB0]  }
0x2f: {  	lr =	sadd.s32 s0, s3;
	s0 =	sld [smem:$0x3FA7]  }
0x30: {  	s3 =	sld [smem:$0x3FAA]  }
0x31: {  	[smem:$0x3FB3] =	sst s10  }
0x32: {  	s10 =	sld [smem:$0x3FB1];
	_ =	sdelay $0x3  }
0x33: {  	p0 =	seq.s32 s10, $0x1;
	s10 =	sld [smem:$0x3FB3];
	_ =	sdelay $0x3  }
0x34: {  	[smem:$0x3FB3] =	sst s10  }
0x35: {  	s10 =	sld [smem:$0x3FB2];
	_ =	sdelay $0x3  }
0x36: {  	p1 =	seq.s32 s10, $0x1;
	s10 =	sld [smem:$0x3FB3];
	_ =	sdelay $0x3  }
0x37: {  	[smem:$0x3FB3] =	sst s10  }
0x38: {  	s10 =	sld [smem:$0x3FB4]  }
0x39: {  	_ = 	snop;
	(pc) =	sbr.ind lr, $3  }
0x3a: {  	_ = 	snop  }
0x3b: {  	_ = 	snop  }
0x3c: {  	p2 =	seq.s32 s10, $0x1;
	s10 =	sld [smem:$0x3FB3]  }
0x3d: {  	_ =	shalt  }
0x3e: {  	_ =	shalt  }
0x3f: {  	_ =	shalt  }
0x40: {  	_ =	shalt  }
0x41: {  	_ =	shalt  }
0x42: {  	_ =	shalt  }
0x43: {  	_ =	shalt  }
0x44: {  	_ =	shalt  }
0x45: {  	_ =	shalt  }
0x46: {  	_ =	shalt  }
0x47: {  	_ =	shalt  }
0x48: {  	_ =	shalt  }
0x49: {  	_ =	shalt  }
0x4a: {  	_ =	shalt  }
0x4b: {  	_ =	shalt  }
0x4c: {  	_ =	shalt  }
0x4d: {  	_ =	shalt  }
0x4e: {  	_ =	shalt  }
0x4f: {  	_ =	shalt  }
0x50: {  	_ =	shalt  }
0x51: {  	_ =	shalt  }
0x52: {  	_ =	shalt  }
0x53: {  	_ =	shalt  }
0x54: {  	_ =	shalt  }
0x55: {  	_ =	shalt  }
0x56: {  	_ =	shalt  }
0x57: {  	_ =	shalt  }
0x58: {  	_ =	shalt  }
0x59: {  	_ =	shalt  }
0x5a: {  	_ =	shalt  }
0x5b: {  	_ =	shalt  }
0x5c: {  	_ =	shalt  }
0x5d: {  	_ =	shalt  }
0x5e: {  	_ =	shalt  }
0x5f: {  	_ =	shalt  }
0x60: {  	_ =	shalt  }
0x61: {  	_ =	shalt  }
0x62: {  	_ =	shalt  }
0x63: {  	_ =	shalt  }
0x64: {  	_ =	shalt  }
0x65: {  	_ =	shalt  }
0x66: {  	_ =	shalt  }
0x67: {  	_ =	shalt  }
0x68: {  	_ =	shalt  }
0x69: {  	_ =	shalt  }
0x6a: {  	_ =	shalt  }
0x6b: {  	_ =	shalt  }
0x6c: {  	_ =	shalt  }
0x6d: {  	_ =	shalt  }
0x6e: {  	_ =	shalt  }
0x6f: {  	_ =	shalt  }
0x70: {  	_ =	shalt  }
0x71: {  	_ =	shalt  }
0x72: {  	_ =	shalt  }
0x73: {  	_ =	shalt  }
0x74: {  	_ =	shalt  }
0x75: {  	_ =	shalt  }
0x76: {  	_ =	shalt  }
0x77: {  	_ =	shalt  }
0x78: {  	_ =	shalt  }
0x79: {  	_ =	shalt  }
0x7a: {  	_ =	shalt  }
0x7b: {  	_ =	shalt  }
0x7c: {  	_ =	shalt  }
0x7d: {  	_ =	shalt  }
0x7e: {  	_ =	shalt  }
0x7f: {  	_ =	shalt  }
0x80: {  	_ =	shalt  }
0x81: {  	_ =	shalt  }
0x82: {  	_ =	shalt  }
0x83: {  	_ =	shalt  }
0x84: {  	_ =	shalt  }
0x85: {  	_ =	shalt  }
0x86: {  	_ =	shalt  }
0x87: {  	_ =	shalt  }
.Lfunc_end0:
.L_simem_size_0:
called_computation_lowered:
.L_overlay_start_0:
0x88: {  	s2 =	sld [smem:$0x3FD9]  }
0x89: {  	s3 =	sld [smem:$0x3FFE];
	_ =	sdelay $0x1  }
0x8a: {  	s1 =	srdreg.scid  }
0x8b: {  	s0 =	sand.u32 $0x1, s1  }
0x8c: {  	s17 =	sshll.u32 s0, $0xA;
	s2 =	sadd.s32 s3, s2  }
0x8d: {  	s2 =	sadd.s32 s2, s17  }
0x8e: {  	[smem:$0x3FBF] =	sst s2  }
0x8f: {  	_ = 	snop  }
0x90: {  	s2 =	sld [smem:$0x3FD0];
	(tm) =	ssettm $0x1  }
0x91: {  	s18 =	sld [smem:$0x3FFB];
	_ =	sdelay $0x3  }
0x92: {  	_ =	strace s18  }
0x93: {  	s3 =	sld [smem:$0x3FFC];
	_ =	sdelay $0x3  }
0x94: {  	_ =	strace s3  }
0x95: {  	s3 =	sld [smem:$0x3FFD];
	_ =	sdelay $0x3  }
0x96: {  	_ =	strace s3  }
0x97: {  	_ =	strace $0x8FFFFFFF  }
0x98: {  	s19 =	sld [smem:$0x3FDB];
	_ =	sdelay $0x1  }
0x99: {  	s4 =	simm.s32 $_scs_section_size  }
0x9a: {  	s5 =	simm.s32 $_size__tile_overlayer_lowered;
	s6 =	simm.s32 $_tile_overlayer_lowered  }
0x9b: {  	s22 =	simm.s32 $0x1BFF;
	s21 =	sshll.u32 s6, $0x1;
	s3 =	sadd.s32 s4, s19  }
0x9c: {  	s7 =	simm.s32 $0x0;
	s20 =	sshll.u32 s5, $0x1;
	s5 =	sadd.s32 s21, s3  }
0x9d: {  	[timem:s7], [sflag:s22] =	dma.local [hbm:s5], s20  }
0x9e: {  	_ =	swait.ge [sflag:s22], s20  }
0x9f: {  	s4 =	ssub.s32 $0x0, s20;
	[sflag:s22] =	ssyncset.done $0x0  }
0xa0: {  	[sflag:s22] =	ssyncadd.s32 s4;
	_ =	sdelay $0x1  }
0xa1: {  	s23 =	simm.s32 $0x1B8B  }
0xa2: {  	_ =	swait.ge [sflag:s23], $0x1  }
0xa3: {  	[sflag:s23] =	ssyncset.done $0x0  }
0xa4: {  	s25 =	simm.s32 $0x1B8E;
	s24 =	sld [smem:$0x3FFE];
	[sflag:s23] =	ssyncadd.s32 $0xFFFFFFFF  }
0xa5: {  	s26 =	simm.s32 $execute0_lowered;
	[smem:$0x3FD2] =	sst s25  }
0xa6: {  	s5 =	sshll.u32 s26, $0x1;
	_ =	strace $0x80000046;
	[dreg:$0x1] =	wrdreg $0xFFFFFFFF  }
0xa7: {  	s28 =	simm.s32 $_size_execute0_lowered;
	s3 =	sadd.s32 s3, s5;
	[dreg:$0x0] =	wrdreg $0x0  }
0xa8: {  	s5 =	sshll.u32 s28, $0x1;
	[dreg:$0x2] =	wrdreg s3  }
0xa9: {  	[dreg:$0x3] =	wrdreg s5  }
0xaa: {  	[dreg:$0x4] =	wrdreg $0xC0  }
0xab: {  	_ =	task [dreg:s7], $0x5FFFF  }
0xac: {  	[dreg:$0x1] =	wrdreg $0xFFFFFFFF  }
0xad: {  	[dreg:$0x0] =	wrdreg $0x60  }
0xae: {  	[dreg:$0x2] =	wrdreg s24  }
0xaf: {  	[dreg:$0x3] =	wrdreg s2  }
0xb0: {  	[dreg:$0x4] =	wrdreg $0x0  }
0xb1: {  	[dreg:$0x5] =	wrdreg $0x9  }
0xb2: {  	_ =	task.clear_ibuf [dreg:s7], $0x6FFFF;
	_ =	strace $0x90000046  }
0xb3: {  	s29 =	simm.s32 $0x9;
	_ =	strace $0x80000048  }
0xb4: {  	_ =	swait.ge [sflag:s29], $0x1  }
0xb5: {  	[sflag:s29] =	ssyncadd.s32 $0xFFFFFFFF  }
0xb6: {  	_ =	strace $0x90000048  }
0xb7: {  	_ =	sfence  }
0xb8: {  	s30 =	sld [smem:$0x0];
	_ =	sdelay $0x2  }
0xb9: {  	s31 =	sshll.u32 s1, $0xD;
	s1 =	sshrl.u32 s1, $0x2  }
0xba: {  	s3 =	sand.u32 $0x4000, s31;
	s1 =	sadd.s32 s1, s30  }
0xbb: {  	s0 =	sor.u32 s3, s0;
	s1 =	sshll.u32 s1, $0x11  }
0xbc: {  	s0 =	sor.u32 s1, s0  }
0xbd: {  	s0 =	sadd.s32 $0x8F2B, s0  }
0xbe: {  	[sflag:s0] =	ssyncadd.remote.s32 $0x1  }
0xbf: {  	_ =	sfence.sel $0xFFFF  }
0xc0: {  	[dreg:$0x0] =	wrdreg $0xFFFFFFFF;
	(pc) =	sbr.abs _section_cstart, $3  }
0xc1: {  	[dreg:$0x1] =	wrdreg $0xFFFFFFFF  }
0xc2: {  	_ =	task.clear_ibuf [dreg:s7], $0x2FFFF;
	_ =	strace $0x9FFFFFFF  }
0xc3: {  	(tm) =	ssettm $0x7FFFFFFF  }
tec
execute0_lowered:
.L_overlay_start_1:
0x0: {  	(tag) =	ssettag $0x1  }
0x1: {  	s5 =	rddreg [dreg:$0x0]  }
0x2: {  	s9 =	rddreg [dreg:$0x1]  }
0x3: {  	s1 =	rddreg [dreg:$0x2]  }
0x4: {  	s0 =	rddreg [dreg:$0x3];
	s3 =	simm.s32 $0x0;
	s4 =	srdreg.scid  }
0x5: {  	s2 =	stileid.u32;
	s13 =	simm.s32 $0x18000;
	s14 =	simm.s32 $0x1  }
0x6: {  	s15 =	simm.s32 $0x1A000;
	s16 =	simm.s32 $0x10000;
	s17 =	simm.s32 $0x2000  }
0x7: {  	s18 =	simm.s32 $0x1C000;
	s19 =	simm.s32 $0x1E000;
	s4 =	sand.u32 $0x1, s4  }
0x8: {  	[smem:$0x7FF] =	sst s3;
	s10 =	sshll.u32 s2, $0xA;
	s6 =	ssub.s32 $0x2, s4  }
0x9: {  	_ =	strace $0x80000047;
	s8 =	sadd.s32 s10, s5;
	s7 =	sshrl.u32 s6, $0x1  }
0xa: {  	s5 =	sadd.s32 $0x6800, s5;
	s12 =	ssub.s32 s6, s7;
	s7 =	sshll.u32 s2, $0x10  }
0xb: {  	v1 =	vlaneseq.u32;
	s9 =	sadd.s32 s9, s10;
	s8 =	sadd.s32 $0x2800, s8;
	s10 =	sadd.s32 s7, s1  }
0xc: {  	v0 =	vimm.f32 $0.0e+00;
	v1 =	vmul.u32 $0x3D, v1;
	s6 =	sshll.u32 s2, $0xD;
	s12 =	smax.u32 s12, $0x1;
	s11 =	sadd.s32 $0x8000, s10  }
.LBB2_1:
0xd: {  	s20 =	simm.s32 $0x40;
	s21 =	simm.s32 $0x0  }
.LBB2_2:
0xe: {  	p0 =	sne.s32 s20, $0x1FFC0;
	[tilespmem:s21+$0x10000] =	vst v0;
	s21 =	smov.u32 s20;
	s20 =	sadd.s32 $0x40, s20  }
.Ltmp0:
0xf: {  	(pc) =	sbr.rel @p0 .LBB2_2-.Ltmp0, $2  }
0x10: {  	_ =	sdelay $0x2  }
0x11: {  	s21 =	sshra.s32 s21, $0x2  }
0x12: {  	[tilespmem:s21+$0x10000] =	vst v0;
	s20 =	simm.s32 $0x0  }
0x13: {  	[tilespmem:s13], [sflag:$0x1] =	stream.linear.gather [hbm4b:s8+s20], $0x2000, $0x38;
	v63 =	vld [tilespmem:$0x0]  }
0x14: {  	_ =	swait.ge [sflag:s14], $0x2000  }
0x15: {  	[sflag:s14] =	ssyncset.done $0x0  }
0x16: {  	[sflag:s14] =	ssyncadd.s32 $0xFFFFE000  }
0x17: {  	[tilespmem:s15], [sflag:$0x1] =	stream.linear.gather [hbm4b:s9+s20], $0x2000, $0x38;
	v63 =	vld [tilespmem:$0x0]  }
0x18: {  	_ =	swait.ge [sflag:s14], $0x2000  }
0x19: {  	[sflag:s14] =	ssyncset.done $0x0  }
0x1a: {  	[sflag:s14] =	ssyncadd.s32 $0xFFFFE000  }
.LBB2_4:
0x1b: {  	[spmem:s10] =	stream.linear.scatter [tilespmem:s16], [sflag:$0x1], $0x8000, $0x38;
	v63 =	vld [tilespmem:$0x0]  }
0x1c: {  	_ =	swait.ge [sflag:s14], $0x8000  }
0x1d: {  	[sflag:s14] =	ssyncset.done $0x0  }
0x1e: {  	[sflag:s14] =	ssyncadd.s32 $0xFFFF8000  }
0x1f: {  	[spmem:s11] =	stream.linear.scatter [tilespmem:s16], [sflag:$0x1], $0x8000, $0x38;
	v63 =	vld [tilespmem:$0x0]  }
0x20: {  	_ =	swait.ge [sflag:s14], $0x8000  }
0x21: {  	[sflag:s14] =	ssyncset.done $0x0  }
0x22: {  	[sflag:s14] =	ssyncadd.s32 $0xFFFF8000  }
0x23: {  	s22 =	simm.s32 $0x0;
	[bflag:$0x0] =	sbarrier.arrive $0xFFFF  }
0x24: {  	v2 =	vmov s6;
	v4 =	vld [tilespmem:s22+$0x1A000]  }
0x25: {  	s21 =	sshll.u32 s20, $0x1;
	v2 =	vmul.u32 $0x3D, v2  }
0x26: {  	s25 =	sadd.s32 $0x10, s6;
	s21 =	sor.u32 s4, s21;
	v5 =	vld [tilespmem:s22+$0x18000]  }
0x27: {  	v7 =	vmov s25;
	s23 =	sshll.u32 s21, $0x8;
	v6 =	vbroadcast v2, $0x0  }
0x28: {  	v7 =	vmul.u32 $0x3D, v7;
	s24 =	sadd.s32 $0x100, s23;
	v2 =	vmov s23  }
0x29: {  	s23 =	simm.s32 $0x10;
	v3 =	vmov s24;
	v6 =	vadd.s32 v1, v6;
	v8 =	vsub.s32 v4, v2  }
0x2a: {  	vm0 =	vge.s32 v4, v2;
	vm1 =	vlt.s32 v4, v3;
	v4 =	vld [tilespmem:s23+$0x1A000];
	v8 =	vshll.u32 v8, $0xC  }
0x2b: {  	v6 =	vand.u32 $0xFFFFF, v6;
	vm0 =	vmand vm0, vm1;
	v8 =	vadd.s32 v5, v8  }
0x2c: {  	v5 =	vld [tilespmem:s23+$0x18000];
	v8 =	vsel vm0, v8, v6  }
0x2d: {  	s25 =	sadd.s32 $0x10, s25;
	s24 =	simm.s32 $0x80;
	v7 =	vbroadcast v7, $0x0;
	v6 =	vsel vm0, $0x3F800000, v0;
	[tilespmem:s22+$0x1C000] =	vst v8  }
.LBB2_5:
0x2e: {  	v8 =	vmov s25;
	[tilespmem:s22+$0x1E000] =	vst v6;
	s22 =	smov.u32 s23;
	p0 =	sne.s32 s24, $0x7FC0  }
.Ltmp1:
0x2f: {  	s23 =	sshra.s32 s24, $0x2;
	s24 =	sadd.s32 $0x40, s24;
	v8 =	vmul.u32 $0x3D, v8;
	v6 =	vadd.s32 v1, v7;
	v7 =	vsub.s32 v4, v2;
	(pc) =	sbr.rel @p0 .LBB2_5-.Ltmp1, $4  }
0x30: {  	vm0 =	vge.s32 v4, v2;
	vm1 =	vlt.s32 v4, v3;
	v4 =	vld [tilespmem:s23+$0x1A000];
	v7 =	vshll.u32 v7, $0xC  }
0x31: {  	vm0 =	vmand vm0, vm1;
	v6 =	vand.u32 $0xFFFFF, v6;
	v7 =	vadd.s32 v5, v7  }
0x32: {  	v5 =	vld [tilespmem:s23+$0x18000];
	v9 =	vsel vm0, v7, v6;
	v6 =	vsel vm0, $0x3F800000, v0  }
0x33: {  	s25 =	sadd.s32 $0x10, s25;
	v7 =	vbroadcast v8, $0x0;
	[tilespmem:s22+$0x1C000] =	vst v9  }
0x34: {  	_ = 	snop  }
0x35: {  	vm0 =	vge.s32 v4, v2;
	v2 =	vsub.s32 v4, v2  }
0x36: {  	vm1 =	vlt.s32 v4, v3;
	v3 =	vadd.s32 v1, v7;
	v2 =	vshll.u32 v2, $0xC  }
0x37: {  	vm0 =	vmand vm0, vm1;
	v3 =	vand.u32 $0xFFFFF, v3;
	v2 =	vadd.s32 v5, v2  }
0x38: {  	[tilespmem:s22+$0x1E000] =	vst v6;
	v2 =	vsel vm0, v2, v3  }
0x39: {  	v3 =	vsel vm0, $0x3F800000, v0;
	[tilespmem:s23+$0x1C000] =	vst v2  }
0x3a: {  	s21 =	sshll.u32 s21, $0x14;
	[tilespmem:s23+$0x1E000] =	vst v3  }
0x3b: {  	[spmem:s1] =	stream.indirect.scatter.add.f32 [tilespmem:s19], [sflag:$0x1], $0x1, s18, s17, $0xb8;
	v63 =	vld [tilespmem:$0x0]  }
0x3c: {  	s30 =	sshll.u32 s2, $0x6;
	s31 =	sshrl.u32 s10, $0x3;
	_ =	swait.ge [sflag:s14], $0x2000  }
0x3d: {  	s20 =	sadd.s32 $0x1, s20;
	s21 =	sor.u32 s7, s21;
	[sflag:s14] =	ssyncset.done $0x0  }
0x3e: {  	s22 =	sor.u32 $0x1C01, s30;
	s21 =	sshrl.u32 s21, $0x3;
	[sflag:s14] =	ssyncadd.s32 $0xFFFFE000  }
0x3f: {  	p0 =	sne.s32 s20, $0x8;
	s21 =	sadd.s32 s5, s21;
	[bflag:$0x0] =	sbarrier.arrive $0xFFFF  }
0x40: {  	[hbm:s21], [sflag:s22] =	dma.local [spmem:s31], $0x2000  }
.Ltmp2:
0x41: {  	_ =	swait.ge [sflag:s14], $0x2000;
	(pc) =	sbr.rel @p0 .LBB2_4-.Ltmp2, $3  }
0x42: {  	[sflag:s14] =	ssyncset.done $0x0  }
0x43: {  	[sflag:s14] =	ssyncadd.s32 $0xFFFFE000  }
0x44: {  	[bflag:$0x0] =	sbarrier.arrive $0xFFFF;
	_ =	sdelay $0x1  }
0x45: {  	s3 =	sadd.s32 $0x1, s3  }
0x46: {  	p0 =	sne.s32 s3, s12  }
.Ltmp3:
0x47: {  	_ = 	snop;
	(pc) =	sbr.rel @p0 .LBB2_1-.Ltmp3, $1  }
0x48: {  	_ =	sdelay $0x3  }
0x49: {  	_ =	sfence.sel $0x180000  }
0x4a: {  	[bflag:$0x0] =	sbarrier.arrive $0xFFFF  }
0x4b: {  	p0 =	sne.s32 s2, $0x0;
	_ =	strace $0x90000047  }
0x4c: {  	s0 =	sadd.s32 @!p0 $0x100000, s0;
	[bflag:$0x2] =	sbarrier.arrive $0xFFFF  }
0x4d: {  	[sflag:s0] =	ssyncadd.tile.s32 @!p0 $0x1;
	_ =	shalt  }
.Lfunc_end2:
_tile_overlayer_lowered:
.L_overlay_start_2:
0x4e: {  	(tag) =	ssettag $0x2  }
0x4f: {  	s0 =	rddreg [dreg:$0x0];
	s2 =	stileid.u32  }
0x50: {  	s1 =	rddreg [dreg:$0x1];
	p0 =	sne.s32 s2, $0x0  }
0x51: {  	s3 =	rddreg [dreg:$0x2];
	[bflag:$0x3] =	sbarrier.arrive $0xFFFF;
	s2 =	simm.s32 @!p0 $0x1C01  }
0x52: {  	[timem:s3], [sflag:s2] =	dma.local @!p0 [hbm:s0], s1  }
0x53: {  	s0 =	simm.s32 @!p0 $0x1  }
0x54: {  	_ =	swait.ge @!p0 [sflag:s0], s1  }
0x55: {  	s1 =	ssub.s32 @!p0 $0x0, s1;
	[sflag:s0] =	ssyncset.done @!p0 $0x0  }
0x56: {  	[sflag:s0] =	ssyncadd.s32 @!p0 s1  }
0x57: {  	[bflag:$0x3] =	sbarrier.arrive $0xFFFF  }
0x58: {  	_ =	shalt  }

</sc_bundles>
